<compile_context>
chip_gen: v7x
topology: tpu7x:2x2x1
jax: 0.10.2.dev20260603
libtpu: 0.0.44.dev20260713+nightly
codegen_flags: <defaults>
</compile_context>

<pallas_src>
import functools

import jax
import jax.numpy as jnp
from jax import lax
from jax.experimental import pallas as pl
from jax.experimental.pallas import tpu as pltpu
from jax.experimental.pallas import tpu_sc as plsc

_NC = 2
_NS = 16
_NW = _NC * _NS
_C = 128


def _segment_partials(table, src_r, dst_r, with_deg):
    n_chunks = src_r.shape[1]
    W = table.shape[1]
    n_pad = table.shape[0] + _NS
    rps = n_pad // _NS
    nfull, rem = divmod(rps, _C)

    mesh = plsc.VectorSubcoreMesh(core_axis_name="c", subcore_axis_name="s")

    out_types = [jax.ShapeDtypeStruct((2 * n_pad, W), jnp.float32)]
    scratch = [
        pltpu.VMEM((n_chunks, _C), jnp.int32),
        pltpu.VMEM((n_chunks, _C), jnp.int32),
        pltpu.VMEM((_C, W), jnp.float32),
        pltpu.VMEM_SHARED((n_pad, W), jnp.float32),
        pltpu.SemaphoreType.DMA,
    ]
    if with_deg:
        out_types.append(jax.ShapeDtypeStruct((2 * n_pad, 16), jnp.float32))
        scratch += [
            pltpu.VMEM((_C, 16), jnp.float32),
            pltpu.VMEM_SHARED((n_pad, 16), jnp.float32),
        ]

    @functools.partial(
        pl.kernel,
        mesh=mesh,
        compiler_params=pltpu.CompilerParams(use_tc_tiling_on_sc=False),
        out_type=out_types,
        scratch_types=scratch,
    )
    def sc_kernel(table_hbm, src_hbm, dst_hbm, *rest):
        if with_deg:
            out_hbm, deg_hbm, src_v, dst_v, buf, acc, sem, ones, dacc = rest
        else:
            out_hbm, src_v, dst_v, buf, acc, sem = rest
        cid = lax.axis_index("c")
        sid = lax.axis_index("s")
        wid = sid * _NC + cid
        base = sid * rps

        zvec = jnp.zeros((16,), jnp.float32)

        def _zrow(i, carry):
            for j in range(W // 16):
                buf[i, pl.ds(j * 16, 16)] = zvec
            if with_deg:
                ones[i, pl.ds(0, 16)] = zvec
            return carry

        lax.fori_loop(0, _C, _zrow, 0)

        def _zcopy(t, carry):
            pltpu.sync_copy(buf, acc.at[pl.ds(base + t * _C, _C)])
            if with_deg:
                pltpu.sync_copy(ones, dacc.at[pl.ds(base + t * _C, _C)])
            return carry

        lax.fori_loop(0, nfull, _zcopy, 0)
        if rem:
            pltpu.sync_copy(buf.at[pl.ds(0, rem)],
                            acc.at[pl.ds(base + nfull * _C, rem)])
            if with_deg:
                pltpu.sync_copy(ones.at[pl.ds(0, rem)],
                                dacc.at[pl.ds(base + nfull * _C, rem)])

        if with_deg:
            ovec = jnp.ones((16,), jnp.float32)

            def _orow(i, carry):
                ones[i, pl.ds(0, 16)] = ovec
                return carry

            lax.fori_loop(0, _C, _orow, 0)

        pltpu.sync_copy(src_hbm.at[wid], src_v)
        pltpu.sync_copy(dst_hbm.at[wid], dst_v)
        plsc.subcore_barrier()

        def _edge_chunk(j, carry):
            pltpu.async_copy(table_hbm.at[src_v.at[j]], buf, sem).wait()
            pltpu.sync_copy(buf, acc.at[dst_v.at[j]], add=True)
            if with_deg:
                pltpu.sync_copy(ones, dacc.at[dst_v.at[j]], add=True)
            return carry

        lax.fori_loop(0, n_chunks, _edge_chunk, 0)

        plsc.subcore_barrier()
        pltpu.sync_copy(acc.at[pl.ds(base, rps)],
                        out_hbm.at[pl.ds(cid * n_pad + base, rps)])
        if with_deg:
            pltpu.sync_copy(dacc.at[pl.ds(base, rps)],
                            deg_hbm.at[pl.ds(cid * n_pad + base, rps)])

    res = sc_kernel(table, src_r, dst_r)
    return res if with_deg else res[0]


_BLK = 1000


def _mm(a, b):
    return jnp.dot(a, b, precision=jax.lax.Precision.HIGHEST)


def _layer_mid(x, pa, pb, da, db, W_self0, W_neigh0, b0, W_neigh1):
    n, d = x.shape
    grid = (n // _BLK,)

    def body(x_ref, pa_ref, pb_ref, da_ref, db_ref,
             ws_ref, wn_ref, b_ref, wn1_ref, h_ref, p1_ref):
        deg = jnp.sum(da_ref[...] + db_ref[...], axis=1, keepdims=True) * (1.0 / 16.0)
        inv = 1.0 / jnp.maximum(deg, 1.0)
        agg = (pa_ref[...] + pb_ref[...]) * inv
        h = jnp.maximum(_mm(x_ref[...], ws_ref[...]) + _mm(agg, wn_ref[...])
                        + b_ref[...], 0.0)
        h_ref[...] = h
        p1_ref[...] = _mm(h, wn1_ref[...])

    row = pl.BlockSpec((_BLK, d), lambda i: (i, 0))
    row16 = pl.BlockSpec((_BLK, 16), lambda i: (i, 0))
    full = pl.BlockSpec((d, d), lambda i: (0, 0))
    vec = pl.BlockSpec((1, d), lambda i: (0, 0))
    return pl.pallas_call(
        body,
        grid=grid,
        in_specs=[row, row, row, row16, row16, full, full, vec, full],
        out_specs=[row, row],
        out_shape=[jax.ShapeDtypeStruct((n, d), jnp.float32),
                   jax.ShapeDtypeStruct((n, d), jnp.float32)],
    )(x, pa, pb, da, db, W_self0, W_neigh0, b0[None, :], W_neigh1)


def _layer_out(h, qa, qb, da, db, W_self1, b1):
    n, d = h.shape
    grid = (n // _BLK,)

    def body(h_ref, qa_ref, qb_ref, da_ref, db_ref, ws_ref, b_ref, o_ref):
        deg = jnp.sum(da_ref[...] + db_ref[...], axis=1, keepdims=True) * (1.0 / 16.0)
        inv = 1.0 / jnp.maximum(deg, 1.0)
        o_ref[...] = (_mm(h_ref[...], ws_ref[...])
                      + (qa_ref[...] + qb_ref[...]) * inv + b_ref[...])

    row = pl.BlockSpec((_BLK, d), lambda i: (i, 0))
    row16 = pl.BlockSpec((_BLK, 16), lambda i: (i, 0))
    full = pl.BlockSpec((d, d), lambda i: (0, 0))
    vec = pl.BlockSpec((1, d), lambda i: (0, 0))
    return pl.pallas_call(
        body,
        grid=grid,
        in_specs=[row, row, row, row16, row16, full, vec],
        out_specs=row,
        out_shape=jax.ShapeDtypeStruct((n, d), jnp.float32),
    )(h, qa, qb, da, db, W_self1, b1[None, :])


def kernel(features, edge_index, W_self0, W_neigh0, b0, W_self1, W_neigh1, b1):
    n, d = features.shape
    e = edge_index.shape[1]
    src = edge_index[0]
    dst = edge_index[1]

    assert n % _NS == 0
    n_pad = n + _NS
    n_chunks = -(-e // (_NW * _C))
    e_pad = _NW * n_chunks * _C

    pad_dst = n + (jnp.arange(e_pad - e, dtype=jnp.int32) % _NS)
    src_r = jnp.concatenate(
        [src, jnp.zeros((e_pad - e,), jnp.int32)]).reshape(_NW, n_chunks, _C)
    dst_r = jnp.concatenate([dst, pad_dst]).reshape(_NW, n_chunks, _C)

    part0, deg = _segment_partials(features, src_r, dst_r, True)
    pa, da = part0[:n], deg[:n]
    pb, db = part0[n_pad:n_pad + n], deg[n_pad:n_pad + n]

    h, p1 = _layer_mid(features, pa, pb, da, db, W_self0, W_neigh0, b0, W_neigh1)

    part1 = _segment_partials(p1, src_r, dst_r, False)
    qa = part1[:n]
    qb = part1[n_pad:n_pad + n]

    return _layer_out(h, qa, qb, da, db, W_self1, b1)

# --- scband reference (transcript-rebuilt; emitter-appended) ---
"""Pipeline reference for scband-graph-sage-29661044146328 (READ-ONLY COPY).

The authoritative reference and input builder live on the scoring server;
editing this copy changes nothing except your own understanding.
"""

import jax, jax.numpy as jnp
import numpy as np

N = 10000
E = 320000
D_IN = 128
D_H = 128
D_OUT = 128


def setup_inputs(seed: int = 0) -> dict:
    key = jax.random.key(seed)
    ks = jax.random.split(key, 10)
    features = jax.random.normal(ks[0], (N, D_IN), dtype=jnp.float32)
    edge_index = jax.random.randint(ks[1], (2, E), 0, N, dtype=jnp.int32)
    s0 = 1.0 / np.sqrt(D_IN)
    s1 = 1.0 / np.sqrt(D_H)
    W_self0 = jax.random.normal(ks[2], (D_IN, D_H), dtype=jnp.float32) * s0
    W_neigh0 = jax.random.normal(ks[3], (D_IN, D_H), dtype=jnp.float32) * s0
    b0 = jnp.zeros((D_H,), dtype=jnp.float32)
    W_self1 = jax.random.normal(ks[4], (D_H, D_OUT), dtype=jnp.float32) * s1
    W_neigh1 = jax.random.normal(ks[5], (D_H, D_OUT), dtype=jnp.float32) * s1
    b1 = jnp.zeros((D_OUT,), dtype=jnp.float32)
    return {
        "features": features,
        "edge_index": edge_index,
        "W_self0": W_self0,
        "W_neigh0": W_neigh0,
        "b0": b0,
        "W_self1": W_self1,
        "W_neigh1": W_neigh1,
        "b1": b1,
    }


def _sage_mean_layer(h, src, dst, deg_inv, W_self, W_neigh, b):
    # DGL SAGEConv 'mean': out = fc_self(h) + fc_neigh(mean_{u in N(v)} h_u) + bias
    msg = jnp.take(h, src, axis=0)                                  # gather  [E, d]
    agg = jax.ops.segment_sum(msg, dst, num_segments=N) * deg_inv   # scatter-add + mean
    return h @ W_self + agg @ W_neigh + b


def reference(features, edge_index, W_self0, W_neigh0, b0, W_self1, W_neigh1, b1):
    src = edge_index[0]
    dst = edge_index[1]
    deg = jax.ops.segment_sum(jnp.ones((E,), dtype=jnp.float32), dst, num_segments=N)
    deg_inv = (1.0 / jnp.maximum(deg, 1.0))[:, None]
    # layer 0 (in -> h) + ReLU activation (dropout p=0.0 is identity)
    h = _sage_mean_layer(features, src, dst, deg_inv, W_self0, W_neigh0, b0)
    h = jax.nn.relu(h)
    # layer 1 (h -> out), no activation on final layer
    out = _sage_mean_layer(h, src, dst, deg_inv, W_self1, W_neigh1, b1)
    return out

if __name__ == "__main__":
    import jax
    _d = setup_inputs()
    print(jax.jit(kernel)(*tuple(_d.values())))

</pallas_src>

<mosaic_0001>
#map = affine_map<(d0, d1) -> (0, 0)>
#map1 = affine_map<(d0, d1) -> (0, 0, 0)>
module attributes {stable_mosaic.version = 14 : i64} {
  func.func @sc_kernel(%arg0: i32, %arg1: i32, %arg2: memref<10000x128xf32, #tpu.memory_space<hbm>>, %arg3: memref<32x79x128xi32, #tpu.memory_space<hbm>>, %arg4: memref<32x79x128xi32, #tpu.memory_space<hbm>>, %arg5: memref<20032x128xf32, #tpu.memory_space<hbm>>, %arg6: memref<79x128xi32, #tpu.memory_space<vmem>>, %arg7: memref<79x128xi32, #tpu.memory_space<vmem>>, %arg8: memref<128x128xf32, #tpu.memory_space<vmem>>, %arg9: memref<10016x128xf32, #tpu.memory_space<vmem_shared>>, %arg10: memref<!tpu.dma_semaphore, #tpu.memory_space<semaphore_mem>>) attributes {dimension_semantics = [#tpu.dimension_semantics<core_parallel>, #tpu.dimension_semantics<subcore_parallel>], iteration_bounds = array<i64: 2, 16>, scalar_prefetch = 0 : i64, scratch_operands = 5 : i64, tpu.core_type = #tpu.core_type<sc_vector_subcore>, window_params = [{transform_indices = #map}, {transform_indices = #map1}, {transform_indices = #map1}, {transform_indices = #map}]} {
    %mul3A = arith.constant 2 : i32
    %mul3A_0 = arith.muli %arg1, %mul3A : i32
    %add3A = arith.addi %mul3A_0, %arg0 : i32
    %mul3A_1 = arith.constant 626 : i32
    %mul3A_2 = arith.muli %arg1, %mul3A_1 : i32
    %broadcast_in_dim3A = arith.constant 0.000000e+00 : f32
    %broadcast_in_dim3A_3 = vector.broadcast %broadcast_in_dim3A : f32 to vector<16xf32>
    %scan3A = arith.constant 0 : i32
    %scan3A_4 = arith.constant 0 : i32
    %scan3A_5 = arith.constant 128 : i32
    %scan3A_6 = arith.addi %scan3A_4, %scan3A_5 : i32
    %scan3A_7 = arith.constant 1 : i32
    scf.for %scan3A_27 = %scan3A_4 to %scan3A_6 step %scan3A_7  : i32 {
      %swap3A = arith.index_cast %scan3A_27 : i32 to index
      %swap3A_28 = arith.constant 0 : index
      %swap3A_29 = tpu.vector_load %arg8[%swap3A, %swap3A_28] {strides = array<i32>} : memref<128x128xf32, #tpu.memory_space<vmem>>, vector<1x16xf32>,
      %swap3A_30 = vector.shape_cast %swap3A_29 : vector<1x16xf32> to vector<16xf32>
      %swap3A_31 = vector.shape_cast %broadcast_in_dim3A_3 : vector<16xf32> to vector<1x16xf32>
      tpu.vector_store %arg8[%swap3A, %swap3A_28], %swap3A_31 {strides = array<i32>} : memref<128x128xf32, #tpu.memory_space<vmem>>, vector<1x16xf32>,
      %swap3A_32 = arith.index_cast %scan3A_27 : i32 to index
      %swap3A_33 = arith.constant 16 : index
      %swap3A_34 = tpu.vector_load %arg8[%swap3A_32, %swap3A_33] {strides = array<i32>} : memref<128x128xf32, #tpu.memory_space<vmem>>, vector<1x16xf32>,
      %swap3A_35 = vector.shape_cast %swap3A_34 : vector<1x16xf32> to vector<16xf32>
      %swap3A_36 = vector.shape_cast %broadcast_in_dim3A_3 : vector<16xf32> to vector<1x16xf32>
      tpu.vector_store %arg8[%swap3A_32, %swap3A_33], %swap3A_36 {strides = array<i32>} : memref<128x128xf32, #tpu.memory_space<vmem>>, vector<1x16xf32>,
      %swap3A_37 = arith.index_cast %scan3A_27 : i32 to index
      %swap3A_38 = arith.constant 32 : index
      %swap3A_39 = tpu.vector_load %arg8[%swap3A_37, %swap3A_38] {strides = array<i32>} : memref<128x128xf32, #tpu.memory_space<vmem>>, vector<1x16xf32>,
      %swap3A_40 = vector.shape_cast %swap3A_39 : vector<1x16xf32> to vector<16xf32>
      %swap3A_41 = vector.shape_cast %broadcast_in_dim3A_3 : vector<16xf32> to vector<1x16xf32>
      tpu.vector_store %arg8[%swap3A_37, %swap3A_38], %swap3A_41 {strides = array<i32>} : memref<128x128xf32, #tpu.memory_space<vmem>>, vector<1x16xf32>,
      %swap3A_42 = arith.index_cast %scan3A_27 : i32 to index
      %swap3A_43 = arith.constant 48 : index
      %swap3A_44 = tpu.vector_load %arg8[%swap3A_42, %swap3A_43] {strides = array<i32>} : memref<128x128xf32, #tpu.memory_space<vmem>>, vector<1x16xf32>,
      %swap3A_45 = vector.shape_cast %swap3A_44 : vector<1x16xf32> to vector<16xf32>
      %swap3A_46 = vector.shape_cast %broadcast_in_dim3A_3 : vector<16xf32> to vector<1x16xf32>
      tpu.vector_store %arg8[%swap3A_42, %swap3A_43], %swap3A_46 {strides = array<i32>} : memref<128x128xf32, #tpu.memory_space<vmem>>, vector<1x16xf32>,
      %swap3A_47 = arith.index_cast %scan3A_27 : i32 to index
      %swap3A_48 = arith.constant 64 : index
      %swap3A_49 = tpu.vector_load %arg8[%swap3A_47, %swap3A_48] {strides = array<i32>} : memref<128x128xf32, #tpu.memory_space<vmem>>, vector<1x16xf32>,
      %swap3A_50 = vector.shape_cast %swap3A_49 : vector<1x16xf32> to vector<16xf32>
      %swap3A_51 = vector.shape_cast %broadcast_in_dim3A_3 : vector<16xf32> to vector<1x16xf32>
      tpu.vector_store %arg8[%swap3A_47, %swap3A_48], %swap3A_51 {strides = array<i32>} : memref<128x128xf32, #tpu.memory_space<vmem>>, vector<1x16xf32>,
      %swap3A_52 = arith.index_cast %scan3A_27 : i32 to index
      %swap3A_53 = arith.constant 80 : index
      %swap3A_54 = tpu.vector_load %arg8[%swap3A_52, %swap3A_53] {strides = array<i32>} : memref<128x128xf32, #tpu.memory_space<vmem>>, vector<1x16xf32>,
      %swap3A_55 = vector.shape_cast %swap3A_54 : vector<1x16xf32> to vector<16xf32>
      %swap3A_56 = vector.shape_cast %broadcast_in_dim3A_3 : vector<16xf32> to vector<1x16xf32>
      tpu.vector_store %arg8[%swap3A_52, %swap3A_53], %swap3A_56 {strides = array<i32>} : memref<128x128xf32, #tpu.memory_space<vmem>>, vector<1x16xf32>,
      %swap3A_57 = arith.index_cast %scan3A_27 : i32 to index
      %swap3A_58 = arith.constant 96 : index
      %swap3A_59 = tpu.vector_load %arg8[%swap3A_57, %swap3A_58] {strides = array<i32>} : memref<128x128xf32, #tpu.memory_space<vmem>>, vector<1x16xf32>,
      %swap3A_60 = vector.shape_cast %swap3A_59 : vector<1x16xf32> to vector<16xf32>
      %swap3A_61 = vector.shape_cast %broadcast_in_dim3A_3 : vector<16xf32> to vector<1x16xf32>
      tpu.vector_store %arg8[%swap3A_57, %swap3A_58], %swap3A_61 {strides = array<i32>} : memref<128x128xf32, #tpu.memory_space<vmem>>, vector<1x16xf32>,
      %swap3A_62 = arith.index_cast %scan3A_27 : i32 to index
      %swap3A_63 = arith.constant 112 : index
      %swap3A_64 = tpu.vector_load %arg8[%swap3A_62, %swap3A_63] {strides = array<i32>} : memref<128x128xf32, #tpu.memory_space<vmem>>, vector<1x16xf32>,
      %swap3A_65 = vector.shape_cast %swap3A_64 : vector<1x16xf32> to vector<16xf32>
      %swap3A_66 = vector.shape_cast %broadcast_in_dim3A_3 : vector<16xf32> to vector<1x16xf32>
      tpu.vector_store %arg8[%swap3A_62, %swap3A_63], %swap3A_66 {strides = array<i32>} : memref<128x128xf32, #tpu.memory_space<vmem>>, vector<1x16xf32>,
    }
    %scan3A_8 = arith.constant 128 : i32
    %scan3A_9 = arith.constant 0 : i32
    %scan3A_10 = arith.constant 0 : i32
    %scan3A_11 = arith.constant 4 : i32
    %scan3A_12 = arith.addi %scan3A_10, %scan3A_11 : i32
    %scan3A_13 = arith.constant 1 : i32
    scf.for %scan3A_27 = %scan3A_10 to %scan3A_12 step %scan3A_13  : i32 {
      %mul3A_28 = arith.constant 128 : i32
      %mul3A_29 = arith.muli %scan3A_27, %mul3A_28 : i32
      %add3A_30 = arith.addi %mul3A_2, %mul3A_29 : i32
      "tpu.region"() ({
        %run_scoped3A = tpu.sem_alloc : memref<!tpu.dma_semaphore, #tpu.memory_space<semaphore_mem>>
        %dma_start3A = arith.constant 0 : i32
        %dma_start3A_31 = tpu.memref_slice %arg9[%add3A_30, %dma_start3A] : memref<10016x128xf32, #tpu.memory_space<vmem_shared>> -> memref<128x128xf32, #tpu.memory_space<vmem_shared>>
        %dma_start3A_32 = arith.constant 0 : i32
        %dma_start3A_33 = tpu.memref_slice %arg9[%add3A_30, %dma_start3A_32] : memref<10016x128xf32, #tpu.memory_space<vmem_shared>> -> memref<128x128xf32, #tpu.memory_space<vmem_shared>>
        tpu.enqueue_dma source(%arg8 : memref<128x128xf32, #tpu.memory_space<vmem>>) target(%dma_start3A_33 : memref<128x128xf32, #tpu.memory_space<vmem_shared>>) target_semaphore(%run_scoped3A : memref<!tpu.dma_semaphore, #tpu.memory_space<semaphore_mem>>)
        %dma_wait3A = arith.constant 0 : i32
        %dma_wait3A_34 = tpu.memref_slice %arg9[%add3A_30, %dma_wait3A] : memref<10016x128xf32, #tpu.memory_space<vmem_shared>> -> memref<128x128xf32, #tpu.memory_space<vmem_shared>>
        %dma_wait3A_35 = arith.constant 0 : i32
        %dma_wait3A_36 = tpu.memref_slice %arg9[%add3A_30, %dma_wait3A_35] : memref<10016x128xf32, #tpu.memory_space<vmem_shared>> -> memref<128x128xf32, #tpu.memory_space<vmem_shared>>
        tpu.wait_dma2 semaphore(%run_scoped3A : memref<!tpu.dma_semaphore, #tpu.memory_space<semaphore_mem>>) src(%arg8 : memref<128x128xf32, #tpu.memory_space<vmem>>) dst(%dma_wait3A_36 : memref<128x128xf32, #tpu.memory_space<vmem_shared>>)
        tpu.yield
      }) : () -> ()
    }
    %scan3A_14 = arith.constant 4 : i32
    %add3A_15 = arith.constant 512 : i32
    %add3A_16 = arith.addi %mul3A_2, %add3A_15 : i32
    "tpu.region"() ({
      %run_scoped3A = tpu.sem_alloc : memref<!tpu.dma_semaphore, #tpu.memory_space<semaphore_mem>>
      %dma_start3A = arith.constant 0 : i32
      %dma_start3A_27 = arith.constant 0 : i32
      %dma_start3A_28 = tpu.memref_slice %arg8[%dma_start3A, %dma_start3A_27] : memref<128x128xf32, #tpu.memory_space<vmem>> -> memref<114x128xf32, #tpu.memory_space<vmem>>
      %dma_start3A_29 = arith.constant 0 : i32
      %dma_start3A_30 = tpu.memref_slice %arg9[%add3A_16, %dma_start3A_29] : memref<10016x128xf32, #tpu.memory_space<vmem_shared>> -> memref<114x128xf32, #tpu.memory_space<vmem_shared>>
      %dma_start3A_31 = arith.constant 0 : i32
      %dma_start3A_32 = tpu.memref_slice %arg9[%add3A_16, %dma_start3A_31] : memref<10016x128xf32, #tpu.memory_space<vmem_shared>> -> memref<114x128xf32, #tpu.memory_space<vmem_shared>>
      %dma_start3A_33 = arith.constant 0 : i32
      %dma_start3A_34 = arith.constant 0 : i32
      %dma_start3A_35 = tpu.memref_slice %arg8[%dma_start3A_33, %dma_start3A_34] : memref<128x128xf32, #tpu.memory_space<vmem>> -> memref<114x128xf32, #tpu.memory_space<vmem>>
      tpu.enqueue_dma source(%dma_start3A_35 : memref<114x128xf32, #tpu.memory_space<vmem>>) target(%dma_start3A_32 : memref<114x128xf32, #tpu.memory_space<vmem_shared>>) target_semaphore(%run_scoped3A : memref<!tpu.dma_semaphore, #tpu.memory_space<semaphore_mem>>)
      %dma_wait3A = arith.constant 0 : i32
      %dma_wait3A_36 = arith.constant 0 : i32
      %dma_wait3A_37 = tpu.memref_slice %arg8[%dma_wait3A, %dma_wait3A_36] : memref<128x128xf32, #tpu.memory_space<vmem>> -> memref<114x128xf32, #tpu.memory_space<vmem>>
      %dma_wait3A_38 = arith.constant 0 : i32
      %dma_wait3A_39 = tpu.memref_slice %arg9[%add3A_16, %dma_wait3A_38] : memref<10016x128xf32, #tpu.memory_space<vmem_shared>> -> memref<114x128xf32, #tpu.memory_space<vmem_shared>>
      %dma_wait3A_40 = arith.constant 0 : i32
      %dma_wait3A_41 = tpu.memref_slice %arg9[%add3A_16, %dma_wait3A_40] : memref<10016x128xf32, #tpu.memory_space<vmem_shared>> -> memref<114x128xf32, #tpu.memory_space<vmem_shared>>
      %dma_wait3A_42 = arith.constant 0 : i32
      %dma_wait3A_43 = arith.constant 0 : i32
      %dma_wait3A_44 = tpu.memref_slice %arg8[%dma_wait3A_42, %dma_wait3A_43] : memref<128x128xf32, #tpu.memory_space<vmem>> -> memref<114x128xf32, #tpu.memory_space<vmem>>
      tpu.wait_dma2 semaphore(%run_scoped3A : memref<!tpu.dma_semaphore, #tpu.memory_space<semaphore_mem>>) src(%dma_wait3A_44 : memref<114x128xf32, #tpu.memory_space<vmem>>) dst(%dma_wait3A_41 : memref<114x128xf32, #tpu.memory_space<vmem_shared>>)
      tpu.yield
    }) : () -> ()
    "tpu.region"() ({
      %run_scoped3A = tpu.sem_alloc : memref<!tpu.dma_semaphore, #tpu.memory_space<semaphore_mem>>
      %dma_start3A = arith.constant 0 : i32
      %dma_start3A_27 = arith.constant 0 : i32
      %dma_start3A_28 = tpu.memref_slice %arg3[%add3A, %dma_start3A, %dma_start3A_27] : memref<32x79x128xi32, #tpu.memory_space<hbm>> -> memref<1x79x128xi32, #tpu.memory_space<hbm>>
      %dma_start3A_29 = tpu.memref_squeeze %dma_start3A_28 : memref<1x79x128xi32, #tpu.memory_space<hbm>> -> memref<79x128xi32, #tpu.memory_space<hbm>>
      %dma_start3A_30 = arith.constant 0 : i32
      %dma_start3A_31 = arith.constant 0 : i32
      %dma_start3A_32 = tpu.memref_slice %arg3[%add3A, %dma_start3A_30, %dma_start3A_31] : memref<32x79x128xi32, #tpu.memory_space<hbm>> -> memref<1x79x128xi32, #tpu.memory_space<hbm>>
      %dma_start3A_33 = tpu.memref_squeeze %dma_start3A_32 : memref<1x79x128xi32, #tpu.memory_space<hbm>> -> memref<79x128xi32, #tpu.memory_space<hbm>>
      tpu.enqueue_dma source(%dma_start3A_33 : memref<79x128xi32, #tpu.memory_space<hbm>>) target(%arg6 : memref<79x128xi32, #tpu.memory_space<vmem>>) target_semaphore(%run_scoped3A : memref<!tpu.dma_semaphore, #tpu.memory_space<semaphore_mem>>)
      %dma_wait3A = arith.constant 0 : i32
      %dma_wait3A_34 = arith.constant 0 : i32
      %dma_wait3A_35 = tpu.memref_slice %arg3[%add3A, %dma_wait3A, %dma_wait3A_34] : memref<32x79x128xi32, #tpu.memory_space<hbm>> -> memref<1x79x128xi32, #tpu.memory_space<hbm>>
      %dma_wait3A_36 = tpu.memref_squeeze %dma_wait3A_35 : memref<1x79x128xi32, #tpu.memory_space<hbm>> -> memref<79x128xi32, #tpu.memory_space<hbm>>
      %dma_wait3A_37 = arith.constant 0 : i32
      %dma_wait3A_38 = arith.constant 0 : i32
      %dma_wait3A_39 = tpu.memref_slice %arg3[%add3A, %dma_wait3A_37, %dma_wait3A_38] : memref<32x79x128xi32, #tpu.memory_space<hbm>> -> memref<1x79x128xi32, #tpu.memory_space<hbm>>
      %dma_wait3A_40 = tpu.memref_squeeze %dma_wait3A_39 : memref<1x79x128xi32, #tpu.memory_space<hbm>> -> memref<79x128xi32, #tpu.memory_space<hbm>>
      tpu.wait_dma2 semaphore(%run_scoped3A : memref<!tpu.dma_semaphore, #tpu.memory_space<semaphore_mem>>) src(%dma_wait3A_40 : memref<79x128xi32, #tpu.memory_space<hbm>>) dst(%arg6 : memref<79x128xi32, #tpu.memory_space<vmem>>)
      tpu.yield
    }) : () -> ()
    "tpu.region"() ({
      %run_scoped3A = tpu.sem_alloc : memref<!tpu.dma_semaphore, #tpu.memory_space<semaphore_mem>>
      %dma_start3A = arith.constant 0 : i32
      %dma_start3A_27 = arith.constant 0 : i32
      %dma_start3A_28 = tpu.memref_slice %arg4[%add3A, %dma_start3A, %dma_start3A_27] : memref<32x79x128xi32, #tpu.memory_space<hbm>> -> memref<1x79x128xi32, #tpu.memory_space<hbm>>
      %dma_start3A_29 = tpu.memref_squeeze %dma_start3A_28 : memref<1x79x128xi32, #tpu.memory_space<hbm>> -> memref<79x128xi32, #tpu.memory_space<hbm>>
      %dma_start3A_30 = arith.constant 0 : i32
      %dma_start3A_31 = arith.constant 0 : i32
      %dma_start3A_32 = tpu.memref_slice %arg4[%add3A, %dma_start3A_30, %dma_start3A_31] : memref<32x79x128xi32, #tpu.memory_space<hbm>> -> memref<1x79x128xi32, #tpu.memory_space<hbm>>
      %dma_start3A_33 = tpu.memref_squeeze %dma_start3A_32 : memref<1x79x128xi32, #tpu.memory_space<hbm>> -> memref<79x128xi32, #tpu.memory_space<hbm>>
      tpu.enqueue_dma source(%dma_start3A_33 : memref<79x128xi32, #tpu.memory_space<hbm>>) target(%arg7 : memref<79x128xi32, #tpu.memory_space<vmem>>) target_semaphore(%run_scoped3A : memref<!tpu.dma_semaphore, #tpu.memory_space<semaphore_mem>>)
      %dma_wait3A = arith.constant 0 : i32
      %dma_wait3A_34 = arith.constant 0 : i32
      %dma_wait3A_35 = tpu.memref_slice %arg4[%add3A, %dma_wait3A, %dma_wait3A_34] : memref<32x79x128xi32, #tpu.memory_space<hbm>> -> memref<1x79x128xi32, #tpu.memory_space<hbm>>
      %dma_wait3A_36 = tpu.memref_squeeze %dma_wait3A_35 : memref<1x79x128xi32, #tpu.memory_space<hbm>> -> memref<79x128xi32, #tpu.memory_space<hbm>>
      %dma_wait3A_37 = arith.constant 0 : i32
      %dma_wait3A_38 = arith.constant 0 : i32
      %dma_wait3A_39 = tpu.memref_slice %arg4[%add3A, %dma_wait3A_37, %dma_wait3A_38] : memref<32x79x128xi32, #tpu.memory_space<hbm>> -> memref<1x79x128xi32, #tpu.memory_space<hbm>>
      %dma_wait3A_40 = tpu.memref_squeeze %dma_wait3A_39 : memref<1x79x128xi32, #tpu.memory_space<hbm>> -> memref<79x128xi32, #tpu.memory_space<hbm>>
      tpu.wait_dma2 semaphore(%run_scoped3A : memref<!tpu.dma_semaphore, #tpu.memory_space<semaphore_mem>>) src(%dma_wait3A_40 : memref<79x128xi32, #tpu.memory_space<hbm>>) dst(%arg7 : memref<79x128xi32, #tpu.memory_space<vmem>>)
      tpu.yield
    }) : () -> ()
    %barrier3A = arith.constant 0 : index
    tpu.barrier barrier_id(%barrier3A)
    %scan3A_17 = arith.constant 0 : i32
    %scan3A_18 = arith.constant 0 : i32
    %scan3A_19 = arith.constant 79 : i32
    %scan3A_20 = arith.addi %scan3A_18, %scan3A_19 : i32
    %scan3A_21 = arith.constant 1 : i32
    scf.for %scan3A_27 = %scan3A_18 to %scan3A_20 step %scan3A_21  : i32 {
      %dma_start3A = arith.constant 0 : i32
      %dma_start3A_28 = tpu.memref_slice %arg6[%scan3A_27, %dma_start3A] : memref<79x128xi32, #tpu.memory_space<vmem>> -> memref<1x128xi32, #tpu.memory_space<vmem>>
      %dma_start3A_29 = tpu.memref_squeeze %dma_start3A_28 : memref<1x128xi32, #tpu.memory_space<vmem>> -> memref<128xi32, #tpu.memory_space<vmem>>
      %dma_start3A_30 = arith.constant 0 : i32
      %dma_start3A_31 = arith.constant 0 : i32
      %dma_start3A_32 = tpu.memref_slice %arg2[%dma_start3A_30, %dma_start3A_31] : memref<10000x128xf32, #tpu.memory_space<hbm>> -> memref<10000x128xf32, #tpu.memory_space<hbm>>
      tpu.enqueue_indirect_dma source(%dma_start3A_32 : memref<10000x128xf32, #tpu.memory_space<hbm>>) target(%arg8 : memref<128x128xf32, #tpu.memory_space<vmem>>) offsets(%dma_start3A_29 : memref<128xi32, #tpu.memory_space<vmem>>) semaphore(%arg10 : memref<!tpu.dma_semaphore, #tpu.memory_space<semaphore_mem>>)
      %dma_wait3A = arith.constant 0 : i32
      %dma_wait3A_33 = tpu.memref_slice %arg6[%scan3A_27, %dma_wait3A] : memref<79x128xi32, #tpu.memory_space<vmem>> -> memref<1x128xi32, #tpu.memory_space<vmem>>
      %dma_wait3A_34 = tpu.memref_squeeze %dma_wait3A_33 : memref<1x128xi32, #tpu.memory_space<vmem>> -> memref<128xi32, #tpu.memory_space<vmem>>
      %dma_wait3A_35 = arith.constant 0 : i32
      %dma_wait3A_36 = arith.constant 0 : i32
      %dma_wait3A_37 = tpu.memref_slice %arg2[%dma_wait3A_35, %dma_wait3A_36] : memref<10000x128xf32, #tpu.memory_space<hbm>> -> memref<10000x128xf32, #tpu.memory_space<hbm>>
      tpu.wait_indirect_dma semaphore(%arg10 : memref<!tpu.dma_semaphore, #tpu.memory_space<semaphore_mem>>) src(%dma_wait3A_37 : memref<10000x128xf32, #tpu.memory_space<hbm>>) dst(%arg8 : memref<128x128xf32, #tpu.memory_space<vmem>>)
      "tpu.region"() ({
        %run_scoped3A = tpu.sem_alloc : memref<!tpu.dma_semaphore, #tpu.memory_space<semaphore_mem>>
        %dma_start3A_38 = arith.constant 0 : i32
        %dma_start3A_39 = tpu.memref_slice %arg7[%scan3A_27, %dma_start3A_38] : memref<79x128xi32, #tpu.memory_space<vmem>> -> memref<1x128xi32, #tpu.memory_space<vmem>>
        %dma_start3A_40 = tpu.memref_squeeze %dma_start3A_39 : memref<1x128xi32, #tpu.memory_space<vmem>> -> memref<128xi32, #tpu.memory_space<vmem>>
        %dma_start3A_41 = arith.constant 0 : i32
        %dma_start3A_42 = arith.constant 0 : i32
        %dma_start3A_43 = tpu.memref_slice %arg9[%dma_start3A_41, %dma_start3A_42] : memref<10016x128xf32, #tpu.memory_space<vmem_shared>> -> memref<10016x128xf32, #tpu.memory_space<vmem_shared>>
        tpu.enqueue_indirect_dma source(%arg8 : memref<128x128xf32, #tpu.memory_space<vmem>>) target(%dma_start3A_43 : memref<10016x128xf32, #tpu.memory_space<vmem_shared>>) offsets(%dma_start3A_40 : memref<128xi32, #tpu.memory_space<vmem>>) semaphore(%run_scoped3A : memref<!tpu.dma_semaphore, #tpu.memory_space<semaphore_mem>>) {add = true}
        %dma_wait3A_44 = arith.constant 0 : i32
        %dma_wait3A_45 = tpu.memref_slice %arg7[%scan3A_27, %dma_wait3A_44] : memref<79x128xi32, #tpu.memory_space<vmem>> -> memref<1x128xi32, #tpu.memory_space<vmem>>
        %dma_wait3A_46 = tpu.memref_squeeze %dma_wait3A_45 : memref<1x128xi32, #tpu.memory_space<vmem>> -> memref<128xi32, #tpu.memory_space<vmem>>
        %dma_wait3A_47 = arith.constant 0 : i32
        %dma_wait3A_48 = arith.constant 0 : i32
        %dma_wait3A_49 = tpu.memref_slice %arg9[%dma_wait3A_47, %dma_wait3A_48] : memref<10016x128xf32, #tpu.memory_space<vmem_shared>> -> memref<10016x128xf32, #tpu.memory_space<vmem_shared>>
        tpu.wait_indirect_dma semaphore(%run_scoped3A : memref<!tpu.dma_semaphore, #tpu.memory_space<semaphore_mem>>) src(%arg8 : memref<128x128xf32, #tpu.memory_space<vmem>>) dst(%dma_wait3A_49 : memref<10016x128xf32, #tpu.memory_space<vmem_shared>>)
        tpu.yield
      }) : () -> ()
    }
    %scan3A_22 = arith.constant 79 : i32
    %barrier3A_23 = arith.constant 0 : index
    tpu.barrier barrier_id(%barrier3A_23)
    %mul3A_24 = arith.constant 10016 : i32
    %mul3A_25 = arith.muli %arg0, %mul3A_24 : i32
    %add3A_26 = arith.addi %mul3A_25, %mul3A_2 : i32
    "tpu.region"() ({
      %run_scoped3A = tpu.sem_alloc : memref<!tpu.dma_semaphore, #tpu.memory_space<semaphore_mem>>
      %dma_start3A = arith.constant 0 : i32
      %dma_start3A_27 = tpu.memref_slice %arg5[%add3A_26, %dma_start3A] : memref<20032x128xf32, #tpu.memory_space<hbm>> -> memref<626x128xf32, #tpu.memory_space<hbm>>
      %dma_start3A_28 = arith.constant 0 : i32
      %dma_start3A_29 = tpu.memref_slice %arg9[%mul3A_2, %dma_start3A_28] : memref<10016x128xf32, #tpu.memory_space<vmem_shared>> -> memref<626x128xf32, #tpu.memory_space<vmem_shared>>
      tpu.enqueue_dma source(%dma_start3A_29 : memref<626x128xf32, #tpu.memory_space<vmem_shared>>) target(%dma_start3A_27 : memref<626x128xf32, #tpu.memory_space<hbm>>) target_semaphore(%run_scoped3A : memref<!tpu.dma_semaphore, #tpu.memory_space<semaphore_mem>>)
      %dma_wait3A = arith.constant 0 : i32
      %dma_wait3A_30 = tpu.memref_slice %arg5[%add3A_26, %dma_wait3A] : memref<20032x128xf32, #tpu.memory_space<hbm>> -> memref<626x128xf32, #tpu.memory_space<hbm>>
      %dma_wait3A_31 = arith.constant 0 : i32
      %dma_wait3A_32 = tpu.memref_slice %arg9[%mul3A_2, %dma_wait3A_31] : memref<10016x128xf32, #tpu.memory_space<vmem_shared>> -> memref<626x128xf32, #tpu.memory_space<vmem_shared>>
      tpu.wait_dma2 semaphore(%run_scoped3A : memref<!tpu.dma_semaphore, #tpu.memory_space<semaphore_mem>>) src(%dma_wait3A_32 : memref<626x128xf32, #tpu.memory_space<vmem_shared>>) dst(%dma_wait3A_30 : memref<626x128xf32, #tpu.memory_space<hbm>>)
      tpu.yield
    }) : () -> ()
    return
  }
}

#map = affine_map<(d0, d1) -> (0, 0)>
#map1 = affine_map<(d0, d1) -> (0, 0, 0)>
module attributes {stable_mosaic.version = 14 : i64} {
  func.func @sc_kernel(%arg0: i32, %arg1: i32, %arg2: memref<10000x128xf32, #tpu.memory_space<hbm>>, %arg3: memref<32x79x128xi32, #tpu.memory_space<hbm>>, %arg4: memref<32x79x128xi32, #tpu.memory_space<hbm>>, %arg5: memref<20032x128xf32, #tpu.memory_space<hbm>>, %arg6: memref<20032x16xf32, #tpu.memory_space<hbm>>, %arg7: memref<79x128xi32, #tpu.memory_space<vmem>>, %arg8: memref<79x128xi32, #tpu.memory_space<vmem>>, %arg9: memref<128x128xf32, #tpu.memory_space<vmem>>, %arg10: memref<10016x128xf32, #tpu.memory_space<vmem_shared>>, %arg11: memref<!tpu.dma_semaphore, #tpu.memory_space<semaphore_mem>>, %arg12: memref<128x16xf32, #tpu.memory_space<vmem>>, %arg13: memref<10016x16xf32, #tpu.memory_space<vmem_shared>>) attributes {dimension_semantics = [#tpu.dimension_semantics<core_parallel>, #tpu.dimension_semantics<subcore_parallel>], iteration_bounds = array<i64: 2, 16>, scalar_prefetch = 0 : i64, scratch_operands = 7 : i64, tpu.core_type = #tpu.core_type<sc_vector_subcore>, window_params = [{transform_indices = #map}, {transform_indices = #map1}, {transform_indices = #map1}, {transform_indices = #map}, {transform_indices = #map}]} {
    %mul3A = arith.constant 2 : i32
    %mul3A_0 = arith.muli %arg1, %mul3A : i32
    %add3A = arith.addi %mul3A_0, %arg0 : i32
    %mul3A_1 = arith.constant 626 : i32
    %mul3A_2 = arith.muli %arg1, %mul3A_1 : i32
    %broadcast_in_dim3A = arith.constant 0.000000e+00 : f32
    %broadcast_in_dim3A_3 = vector.broadcast %broadcast_in_dim3A : f32 to vector<16xf32>
    %scan3A = arith.constant 0 : i32
    %scan3A_4 = arith.constant 0 : i32
    %scan3A_5 = arith.constant 128 : i32
    %scan3A_6 = arith.addi %scan3A_4, %scan3A_5 : i32
    %scan3A_7 = arith.constant 1 : i32
    scf.for %scan3A_40 = %scan3A_4 to %scan3A_6 step %scan3A_7  : i32 {
      %swap3A = arith.index_cast %scan3A_40 : i32 to index
      %swap3A_41 = arith.constant 0 : index
      %swap3A_42 = tpu.vector_load %arg9[%swap3A, %swap3A_41] {strides = array<i32>} : memref<128x128xf32, #tpu.memory_space<vmem>>, vector<1x16xf32>,
      %swap3A_43 = vector.shape_cast %swap3A_42 : vector<1x16xf32> to vector<16xf32>
      %swap3A_44 = vector.shape_cast %broadcast_in_dim3A_3 : vector<16xf32> to vector<1x16xf32>
      tpu.vector_store %arg9[%swap3A, %swap3A_41], %swap3A_44 {strides = array<i32>} : memref<128x128xf32, #tpu.memory_space<vmem>>, vector<1x16xf32>,
      %swap3A_45 = arith.index_cast %scan3A_40 : i32 to index
      %swap3A_46 = arith.constant 16 : index
      %swap3A_47 = tpu.vector_load %arg9[%swap3A_45, %swap3A_46] {strides = array<i32>} : memref<128x128xf32, #tpu.memory_space<vmem>>, vector<1x16xf32>,
      %swap3A_48 = vector.shape_cast %swap3A_47 : vector<1x16xf32> to vector<16xf32>
      %swap3A_49 = vector.shape_cast %broadcast_in_dim3A_3 : vector<16xf32> to vector<1x16xf32>
      tpu.vector_store %arg9[%swap3A_45, %swap3A_46], %swap3A_49 {strides = array<i32>} : memref<128x128xf32, #tpu.memory_space<vmem>>, vector<1x16xf32>,
      %swap3A_50 = arith.index_cast %scan3A_40 : i32 to index
      %swap3A_51 = arith.constant 32 : index
      %swap3A_52 = tpu.vector_load %arg9[%swap3A_50, %swap3A_51] {strides = array<i32>} : memref<128x128xf32, #tpu.memory_space<vmem>>, vector<1x16xf32>,
      %swap3A_53 = vector.shape_cast %swap3A_52 : vector<1x16xf32> to vector<16xf32>
      %swap3A_54 = vector.shape_cast %broadcast_in_dim3A_3 : vector<16xf32> to vector<1x16xf32>
      tpu.vector_store %arg9[%swap3A_50, %swap3A_51], %swap3A_54 {strides = array<i32>} : memref<128x128xf32, #tpu.memory_space<vmem>>, vector<1x16xf32>,
      %swap3A_55 = arith.index_cast %scan3A_40 : i32 to index
      %swap3A_56 = arith.constant 48 : index
      %swap3A_57 = tpu.vector_load %arg9[%swap3A_55, %swap3A_56] {strides = array<i32>} : memref<128x128xf32, #tpu.memory_space<vmem>>, vector<1x16xf32>,
      %swap3A_58 = vector.shape_cast %swap3A_57 : vector<1x16xf32> to vector<16xf32>
      %swap3A_59 = vector.shape_cast %broadcast_in_dim3A_3 : vector<16xf32> to vector<1x16xf32>
      tpu.vector_store %arg9[%swap3A_55, %swap3A_56], %swap3A_59 {strides = array<i32>} : memref<128x128xf32, #tpu.memory_space<vmem>>, vector<1x16xf32>,
      %swap3A_60 = arith.index_cast %scan3A_40 : i32 to index
      %swap3A_61 = arith.constant 64 : index
      %swap3A_62 = tpu.vector_load %arg9[%swap3A_60, %swap3A_61] {strides = array<i32>} : memref<128x128xf32, #tpu.memory_space<vmem>>, vector<1x16xf32>,
      %swap3A_63 = vector.shape_cast %swap3A_62 : vector<1x16xf32> to vector<16xf32>
      %swap3A_64 = vector.shape_cast %broadcast_in_dim3A_3 : vector<16xf32> to vector<1x16xf32>
      tpu.vector_store %arg9[%swap3A_60, %swap3A_61], %swap3A_64 {strides = array<i32>} : memref<128x128xf32, #tpu.memory_space<vmem>>, vector<1x16xf32>,
      %swap3A_65 = arith.index_cast %scan3A_40 : i32 to index
      %swap3A_66 = arith.constant 80 : index
      %swap3A_67 = tpu.vector_load %arg9[%swap3A_65, %swap3A_66] {strides = array<i32>} : memref<128x128xf32, #tpu.memory_space<vmem>>, vector<1x16xf32>,
      %swap3A_68 = vector.shape_cast %swap3A_67 : vector<1x16xf32> to vector<16xf32>
      %swap3A_69 = vector.shape_cast %broadcast_in_dim3A_3 : vector<16xf32> to vector<1x16xf32>
      tpu.vector_store %arg9[%swap3A_65, %swap3A_66], %swap3A_69 {strides = array<i32>} : memref<128x128xf32, #tpu.memory_space<vmem>>, vector<1x16xf32>,
      %swap3A_70 = arith.index_cast %scan3A_40 : i32 to index
      %swap3A_71 = arith.constant 96 : index
      %swap3A_72 = tpu.vector_load %arg9[%swap3A_70, %swap3A_71] {strides = array<i32>} : memref<128x128xf32, #tpu.memory_space<vmem>>, vector<1x16xf32>,
      %swap3A_73 = vector.shape_cast %swap3A_72 : vector<1x16xf32> to vector<16xf32>
      %swap3A_74 = vector.shape_cast %broadcast_in_dim3A_3 : vector<16xf32> to vector<1x16xf32>
      tpu.vector_store %arg9[%swap3A_70, %swap3A_71], %swap3A_74 {strides = array<i32>} : memref<128x128xf32, #tpu.memory_space<vmem>>, vector<1x16xf32>,
      %swap3A_75 = arith.index_cast %scan3A_40 : i32 to index
      %swap3A_76 = arith.constant 112 : index
      %swap3A_77 = tpu.vector_load %arg9[%swap3A_75, %swap3A_76] {strides = array<i32>} : memref<128x128xf32, #tpu.memory_space<vmem>>, vector<1x16xf32>,
      %swap3A_78 = vector.shape_cast %swap3A_77 : vector<1x16xf32> to vector<16xf32>
      %swap3A_79 = vector.shape_cast %broadcast_in_dim3A_3 : vector<16xf32> to vector<1x16xf32>
      tpu.vector_store %arg9[%swap3A_75, %swap3A_76], %swap3A_79 {strides = array<i32>} : memref<128x128xf32, #tpu.memory_space<vmem>>, vector<1x16xf32>,
      %swap3A_80 = arith.index_cast %scan3A_40 : i32 to index
      %swap3A_81 = arith.constant 0 : index
      %swap3A_82 = tpu.vector_load %arg12[%swap3A_80, %swap3A_81] {strides = array<i32>} : memref<128x16xf32, #tpu.memory_space<vmem>>, vector<1x16xf32>,
      %swap3A_83 = vector.shape_cast %swap3A_82 : vector<1x16xf32> to vector<16xf32>
      %swap3A_84 = vector.shape_cast %broadcast_in_dim3A_3 : vector<16xf32> to vector<1x16xf32>
      tpu.vector_store %arg12[%swap3A_80, %swap3A_81], %swap3A_84 {strides = array<i32>} : memref<128x16xf32, #tpu.memory_space<vmem>>, vector<1x16xf32>,
    }
    %scan3A_8 = arith.constant 128 : i32
    %scan3A_9 = arith.constant 0 : i32
    %scan3A_10 = arith.constant 0 : i32
    %scan3A_11 = arith.constant 4 : i32
    %scan3A_12 = arith.addi %scan3A_10, %scan3A_11 : i32
    %scan3A_13 = arith.constant 1 : i32
    scf.for %scan3A_40 = %scan3A_10 to %scan3A_12 step %scan3A_13  : i32 {
      %mul3A_41 = arith.constant 128 : i32
      %mul3A_42 = arith.muli %scan3A_40, %mul3A_41 : i32
      %add3A_43 = arith.addi %mul3A_2, %mul3A_42 : i32
      "tpu.region"() ({
        %run_scoped3A = tpu.sem_alloc : memref<!tpu.dma_semaphore, #tpu.memory_space<semaphore_mem>>
        %dma_start3A = arith.constant 0 : i32
        %dma_start3A_47 = tpu.memref_slice %arg10[%add3A_43, %dma_start3A] : memref<10016x128xf32, #tpu.memory_space<vmem_shared>> -> memref<128x128xf32, #tpu.memory_space<vmem_shared>>
        %dma_start3A_48 = arith.constant 0 : i32
        %dma_start3A_49 = tpu.memref_slice %arg10[%add3A_43, %dma_start3A_48] : memref<10016x128xf32, #tpu.memory_space<vmem_shared>> -> memref<128x128xf32, #tpu.memory_space<vmem_shared>>
        tpu.enqueue_dma source(%arg9 : memref<128x128xf32, #tpu.memory_space<vmem>>) target(%dma_start3A_49 : memref<128x128xf32, #tpu.memory_space<vmem_shared>>) target_semaphore(%run_scoped3A : memref<!tpu.dma_semaphore, #tpu.memory_space<semaphore_mem>>)
        %dma_wait3A = arith.constant 0 : i32
        %dma_wait3A_50 = tpu.memref_slice %arg10[%add3A_43, %dma_wait3A] : memref<10016x128xf32, #tpu.memory_space<vmem_shared>> -> memref<128x128xf32, #tpu.memory_space<vmem_shared>>
        %dma_wait3A_51 = arith.constant 0 : i32
        %dma_wait3A_52 = tpu.memref_slice %arg10[%add3A_43, %dma_wait3A_51] : memref<10016x128xf32, #tpu.memory_space<vmem_shared>> -> memref<128x128xf32, #tpu.memory_space<vmem_shared>>
        tpu.wait_dma2 semaphore(%run_scoped3A : memref<!tpu.dma_semaphore, #tpu.memory_space<semaphore_mem>>) src(%arg9 : memref<128x128xf32, #tpu.memory_space<vmem>>) dst(%dma_wait3A_52 : memref<128x128xf32, #tpu.memory_space<vmem_shared>>)
        tpu.yield
      }) : () -> ()
      %mul3A_44 = arith.constant 128 : i32
      %mul3A_45 = arith.muli %scan3A_40, %mul3A_44 : i32
      %add3A_46 = arith.addi %mul3A_2, %mul3A_45 : i32
      "tpu.region"() ({
        %run_scoped3A = tpu.sem_alloc : memref<!tpu.dma_semaphore, #tpu.memory_space<semaphore_mem>>
        %dma_start3A = arith.constant 0 : i32
        %dma_start3A_47 = tpu.memref_slice %arg13[%add3A_46, %dma_start3A] : memref<10016x16xf32, #tpu.memory_space<vmem_shared>> -> memref<128x16xf32, #tpu.memory_space<vmem_shared>>
        %dma_start3A_48 = arith.constant 0 : i32
        %dma_start3A_49 = tpu.memref_slice %arg13[%add3A_46, %dma_start3A_48] : memref<10016x16xf32, #tpu.memory_space<vmem_shared>> -> memref<128x16xf32, #tpu.memory_space<vmem_shared>>
        tpu.enqueue_dma source(%arg12 : memref<128x16xf32, #tpu.memory_space<vmem>>) target(%dma_start3A_49 : memref<128x16xf32, #tpu.memory_space<vmem_shared>>) target_semaphore(%run_scoped3A : memref<!tpu.dma_semaphore, #tpu.memory_space<semaphore_mem>>)
        %dma_wait3A = arith.constant 0 : i32
        %dma_wait3A_50 = tpu.memref_slice %arg13[%add3A_46, %dma_wait3A] : memref<10016x16xf32, #tpu.memory_space<vmem_shared>> -> memref<128x16xf32, #tpu.memory_space<vmem_shared>>
        %dma_wait3A_51 = arith.constant 0 : i32
        %dma_wait3A_52 = tpu.memref_slice %arg13[%add3A_46, %dma_wait3A_51] : memref<10016x16xf32, #tpu.memory_space<vmem_shared>> -> memref<128x16xf32, #tpu.memory_space<vmem_shared>>
        tpu.wait_dma2 semaphore(%run_scoped3A : memref<!tpu.dma_semaphore, #tpu.memory_space<semaphore_mem>>) src(%arg12 : memref<128x16xf32, #tpu.memory_space<vmem>>) dst(%dma_wait3A_52 : memref<128x16xf32, #tpu.memory_space<vmem_shared>>)
        tpu.yield
      }) : () -> ()
    }
    %scan3A_14 = arith.constant 4 : i32
    %add3A_15 = arith.constant 512 : i32
    %add3A_16 = arith.addi %mul3A_2, %add3A_15 : i32
    "tpu.region"() ({
      %run_scoped3A = tpu.sem_alloc : memref<!tpu.dma_semaphore, #tpu.memory_space<semaphore_mem>>
      %dma_start3A = arith.constant 0 : i32
      %dma_start3A_40 = arith.constant 0 : i32
      %dma_start3A_41 = tpu.memref_slice %arg9[%dma_start3A, %dma_start3A_40] : memref<128x128xf32, #tpu.memory_space<vmem>> -> memref<114x128xf32, #tpu.memory_space<vmem>>
      %dma_start3A_42 = arith.constant 0 : i32
      %dma_start3A_43 = tpu.memref_slice %arg10[%add3A_16, %dma_start3A_42] : memref<10016x128xf32, #tpu.memory_space<vmem_shared>> -> memref<114x128xf32, #tpu.memory_space<vmem_shared>>
      %dma_start3A_44 = arith.constant 0 : i32
      %dma_start3A_45 = tpu.memref_slice %arg10[%add3A_16, %dma_start3A_44] : memref<10016x128xf32, #tpu.memory_space<vmem_shared>> -> memref<114x128xf32, #tpu.memory_space<vmem_shared>>
      %dma_start3A_46 = arith.constant 0 : i32
      %dma_start3A_47 = arith.constant 0 : i32
      %dma_start3A_48 = tpu.memref_slice %arg9[%dma_start3A_46, %dma_start3A_47] : memref<128x128xf32, #tpu.memory_space<vmem>> -> memref<114x128xf32, #tpu.memory_space<vmem>>
      tpu.enqueue_dma source(%dma_start3A_48 : memref<114x128xf32, #tpu.memory_space<vmem>>) target(%dma_start3A_45 : memref<114x128xf32, #tpu.memory_space<vmem_shared>>) target_semaphore(%run_scoped3A : memref<!tpu.dma_semaphore, #tpu.memory_space<semaphore_mem>>)
      %dma_wait3A = arith.constant 0 : i32
      %dma_wait3A_49 = arith.constant 0 : i32
      %dma_wait3A_50 = tpu.memref_slice %arg9[%dma_wait3A, %dma_wait3A_49] : memref<128x128xf32, #tpu.memory_space<vmem>> -> memref<114x128xf32, #tpu.memory_space<vmem>>
      %dma_wait3A_51 = arith.constant 0 : i32
      %dma_wait3A_52 = tpu.memref_slice %arg10[%add3A_16, %dma_wait3A_51] : memref<10016x128xf32, #tpu.memory_space<vmem_shared>> -> memref<114x128xf32, #tpu.memory_space<vmem_shared>>
      %dma_wait3A_53 = arith.constant 0 : i32
      %dma_wait3A_54 = tpu.memref_slice %arg10[%add3A_16, %dma_wait3A_53] : memref<10016x128xf32, #tpu.memory_space<vmem_shared>> -> memref<114x128xf32, #tpu.memory_space<vmem_shared>>
      %dma_wait3A_55 = arith.constant 0 : i32
      %dma_wait3A_56 = arith.constant 0 : i32
      %dma_wait3A_57 = tpu.memref_slice %arg9[%dma_wait3A_55, %dma_wait3A_56] : memref<128x128xf32, #tpu.memory_space<vmem>> -> memref<114x128xf32, #tpu.memory_space<vmem>>
      tpu.wait_dma2 semaphore(%run_scoped3A : memref<!tpu.dma_semaphore, #tpu.memory_space<semaphore_mem>>) src(%dma_wait3A_57 : memref<114x128xf32, #tpu.memory_space<vmem>>) dst(%dma_wait3A_54 : memref<114x128xf32, #tpu.memory_space<vmem_shared>>)
      tpu.yield
    }) : () -> ()
    %add3A_17 = arith.constant 512 : i32
    %add3A_18 = arith.addi %mul3A_2, %add3A_17 : i32
    "tpu.region"() ({
      %run_scoped3A = tpu.sem_alloc : memref<!tpu.dma_semaphore, #tpu.memory_space<semaphore_mem>>
      %dma_start3A = arith.constant 0 : i32
      %dma_start3A_40 = arith.constant 0 : i32
      %dma_start3A_41 = tpu.memref_slice %arg12[%dma_start3A, %dma_start3A_40] : memref<128x16xf32, #tpu.memory_space<vmem>> -> memref<114x16xf32, #tpu.memory_space<vmem>>
      %dma_start3A_42 = arith.constant 0 : i32
      %dma_start3A_43 = tpu.memref_slice %arg13[%add3A_18, %dma_start3A_42] : memref<10016x16xf32, #tpu.memory_space<vmem_shared>> -> memref<114x16xf32, #tpu.memory_space<vmem_shared>>
      %dma_start3A_44 = arith.constant 0 : i32
      %dma_start3A_45 = tpu.memref_slice %arg13[%add3A_18, %dma_start3A_44] : memref<10016x16xf32, #tpu.memory_space<vmem_shared>> -> memref<114x16xf32, #tpu.memory_space<vmem_shared>>
      %dma_start3A_46 = arith.constant 0 : i32
      %dma_start3A_47 = arith.constant 0 : i32
      %dma_start3A_48 = tpu.memref_slice %arg12[%dma_start3A_46, %dma_start3A_47] : memref<128x16xf32, #tpu.memory_space<vmem>> -> memref<114x16xf32, #tpu.memory_space<vmem>>
      tpu.enqueue_dma source(%dma_start3A_48 : memref<114x16xf32, #tpu.memory_space<vmem>>) target(%dma_start3A_45 : memref<114x16xf32, #tpu.memory_space<vmem_shared>>) target_semaphore(%run_scoped3A : memref<!tpu.dma_semaphore, #tpu.memory_space<semaphore_mem>>)
      %dma_wait3A = arith.constant 0 : i32
      %dma_wait3A_49 = arith.constant 0 : i32
      %dma_wait3A_50 = tpu.memref_slice %arg12[%dma_wait3A, %dma_wait3A_49] : memref<128x16xf32, #tpu.memory_space<vmem>> -> memref<114x16xf32, #tpu.memory_space<vmem>>
      %dma_wait3A_51 = arith.constant 0 : i32
      %dma_wait3A_52 = tpu.memref_slice %arg13[%add3A_18, %dma_wait3A_51] : memref<10016x16xf32, #tpu.memory_space<vmem_shared>> -> memref<114x16xf32, #tpu.memory_space<vmem_shared>>
      %dma_wait3A_53 = arith.constant 0 : i32
      %dma_wait3A_54 = tpu.memref_slice %arg13[%add3A_18, %dma_wait3A_53] : memref<10016x16xf32, #tpu.memory_space<vmem_shared>> -> memref<114x16xf32, #tpu.memory_space<vmem_shared>>
      %dma_wait3A_55 = arith.constant 0 : i32
      %dma_wait3A_56 = arith.constant 0 : i32
      %dma_wait3A_57 = tpu.memref_slice %arg12[%dma_wait3A_55, %dma_wait3A_56] : memref<128x16xf32, #tpu.memory_space<vmem>> -> memref<114x16xf32, #tpu.memory_space<vmem>>
      tpu.wait_dma2 semaphore(%run_scoped3A : memref<!tpu.dma_semaphore, #tpu.memory_space<semaphore_mem>>) src(%dma_wait3A_57 : memref<114x16xf32, #tpu.memory_space<vmem>>) dst(%dma_wait3A_54 : memref<114x16xf32, #tpu.memory_space<vmem_shared>>)
      tpu.yield
    }) : () -> ()
    %broadcast_in_dim3A_19 = arith.constant 1.000000e+00 : f32
    %broadcast_in_dim3A_20 = vector.broadcast %broadcast_in_dim3A_19 : f32 to vector<16xf32>
    %scan3A_21 = arith.constant 0 : i32
    %scan3A_22 = arith.constant 0 : i32
    %scan3A_23 = arith.constant 128 : i32
    %scan3A_24 = arith.addi %scan3A_22, %scan3A_23 : i32
    %scan3A_25 = arith.constant 1 : i32
    scf.for %scan3A_40 = %scan3A_22 to %scan3A_24 step %scan3A_25  : i32 {
      %swap3A = arith.index_cast %scan3A_40 : i32 to index
      %swap3A_41 = arith.constant 0 : index
      %swap3A_42 = tpu.vector_load %arg12[%swap3A, %swap3A_41] {strides = array<i32>} : memref<128x16xf32, #tpu.memory_space<vmem>>, vector<1x16xf32>,
      %swap3A_43 = vector.shape_cast %swap3A_42 : vector<1x16xf32> to vector<16xf32>
      %swap3A_44 = vector.shape_cast %broadcast_in_dim3A_20 : vector<16xf32> to vector<1x16xf32>
      tpu.vector_store %arg12[%swap3A, %swap3A_41], %swap3A_44 {strides = array<i32>} : memref<128x16xf32, #tpu.memory_space<vmem>>, vector<1x16xf32>,
    }
    %scan3A_26 = arith.constant 128 : i32
    "tpu.region"() ({
      %run_scoped3A = tpu.sem_alloc : memref<!tpu.dma_semaphore, #tpu.memory_space<semaphore_mem>>
      %dma_start3A = arith.constant 0 : i32
      %dma_start3A_40 = arith.constant 0 : i32
      %dma_start3A_41 = tpu.memref_slice %arg3[%add3A, %dma_start3A, %dma_start3A_40] : memref<32x79x128xi32, #tpu.memory_space<hbm>> -> memref<1x79x128xi32, #tpu.memory_space<hbm>>
      %dma_start3A_42 = tpu.memref_squeeze %dma_start3A_41 : memref<1x79x128xi32, #tpu.memory_space<hbm>> -> memref<79x128xi32, #tpu.memory_space<hbm>>
      %dma_start3A_43 = arith.constant 0 : i32
      %dma_start3A_44 = arith.constant 0 : i32
      %dma_start3A_45 = tpu.memref_slice %arg3[%add3A, %dma_start3A_43, %dma_start3A_44] : memref<32x79x128xi32, #tpu.memory_space<hbm>> -> memref<1x79x128xi32, #tpu.memory_space<hbm>>
      %dma_start3A_46 = tpu.memref_squeeze %dma_start3A_45 : memref<1x79x128xi32, #tpu.memory_space<hbm>> -> memref<79x128xi32, #tpu.memory_space<hbm>>
      tpu.enqueue_dma source(%dma_start3A_46 : memref<79x128xi32, #tpu.memory_space<hbm>>) target(%arg7 : memref<79x128xi32, #tpu.memory_space<vmem>>) target_semaphore(%run_scoped3A : memref<!tpu.dma_semaphore, #tpu.memory_space<semaphore_mem>>)
      %dma_wait3A = arith.constant 0 : i32
      %dma_wait3A_47 = arith.constant 0 : i32
      %dma_wait3A_48 = tpu.memref_slice %arg3[%add3A, %dma_wait3A, %dma_wait3A_47] : memref<32x79x128xi32, #tpu.memory_space<hbm>> -> memref<1x79x128xi32, #tpu.memory_space<hbm>>
      %dma_wait3A_49 = tpu.memref_squeeze %dma_wait3A_48 : memref<1x79x128xi32, #tpu.memory_space<hbm>> -> memref<79x128xi32, #tpu.memory_space<hbm>>
      %dma_wait3A_50 = arith.constant 0 : i32
      %dma_wait3A_51 = arith.constant 0 : i32
      %dma_wait3A_52 = tpu.memref_slice %arg3[%add3A, %dma_wait3A_50, %dma_wait3A_51] : memref<32x79x128xi32, #tpu.memory_space<hbm>> -> memref<1x79x128xi32, #tpu.memory_space<hbm>>
      %dma_wait3A_53 = tpu.memref_squeeze %dma_wait3A_52 : memref<1x79x128xi32, #tpu.memory_space<hbm>> -> memref<79x128xi32, #tpu.memory_space<hbm>>
      tpu.wait_dma2 semaphore(%run_scoped3A : memref<!tpu.dma_semaphore, #tpu.memory_space<semaphore_mem>>) src(%dma_wait3A_53 : memref<79x128xi32, #tpu.memory_space<hbm>>) dst(%arg7 : memref<79x128xi32, #tpu.memory_space<vmem>>)
      tpu.yield
    }) : () -> ()
    "tpu.region"() ({
      %run_scoped3A = tpu.sem_alloc : memref<!tpu.dma_semaphore, #tpu.memory_space<semaphore_mem>>
      %dma_start3A = arith.constant 0 : i32
      %dma_start3A_40 = arith.constant 0 : i32
      %dma_start3A_41 = tpu.memref_slice %arg4[%add3A, %dma_start3A, %dma_start3A_40] : memref<32x79x128xi32, #tpu.memory_space<hbm>> -> memref<1x79x128xi32, #tpu.memory_space<hbm>>
      %dma_start3A_42 = tpu.memref_squeeze %dma_start3A_41 : memref<1x79x128xi32, #tpu.memory_space<hbm>> -> memref<79x128xi32, #tpu.memory_space<hbm>>
      %dma_start3A_43 = arith.constant 0 : i32
      %dma_start3A_44 = arith.constant 0 : i32
      %dma_start3A_45 = tpu.memref_slice %arg4[%add3A, %dma_start3A_43, %dma_start3A_44] : memref<32x79x128xi32, #tpu.memory_space<hbm>> -> memref<1x79x128xi32, #tpu.memory_space<hbm>>
      %dma_start3A_46 = tpu.memref_squeeze %dma_start3A_45 : memref<1x79x128xi32, #tpu.memory_space<hbm>> -> memref<79x128xi32, #tpu.memory_space<hbm>>
      tpu.enqueue_dma source(%dma_start3A_46 : memref<79x128xi32, #tpu.memory_space<hbm>>) target(%arg8 : memref<79x128xi32, #tpu.memory_space<vmem>>) target_semaphore(%run_scoped3A : memref<!tpu.dma_semaphore, #tpu.memory_space<semaphore_mem>>)
      %dma_wait3A = arith.constant 0 : i32
      %dma_wait3A_47 = arith.constant 0 : i32
      %dma_wait3A_48 = tpu.memref_slice %arg4[%add3A, %dma_wait3A, %dma_wait3A_47] : memref<32x79x128xi32, #tpu.memory_space<hbm>> -> memref<1x79x128xi32, #tpu.memory_space<hbm>>
      %dma_wait3A_49 = tpu.memref_squeeze %dma_wait3A_48 : memref<1x79x128xi32, #tpu.memory_space<hbm>> -> memref<79x128xi32, #tpu.memory_space<hbm>>
      %dma_wait3A_50 = arith.constant 0 : i32
      %dma_wait3A_51 = arith.constant 0 : i32
      %dma_wait3A_52 = tpu.memref_slice %arg4[%add3A, %dma_wait3A_50, %dma_wait3A_51] : memref<32x79x128xi32, #tpu.memory_space<hbm>> -> memref<1x79x128xi32, #tpu.memory_space<hbm>>
      %dma_wait3A_53 = tpu.memref_squeeze %dma_wait3A_52 : memref<1x79x128xi32, #tpu.memory_space<hbm>> -> memref<79x128xi32, #tpu.memory_space<hbm>>
      tpu.wait_dma2 semaphore(%run_scoped3A : memref<!tpu.dma_semaphore, #tpu.memory_space<semaphore_mem>>) src(%dma_wait3A_53 : memref<79x128xi32, #tpu.memory_space<hbm>>) dst(%arg8 : memref<79x128xi32, #tpu.memory_space<vmem>>)
      tpu.yield
    }) : () -> ()
    %barrier3A = arith.constant 0 : index
    tpu.barrier barrier_id(%barrier3A)
    %scan3A_27 = arith.constant 0 : i32
    %scan3A_28 = arith.constant 0 : i32
    %scan3A_29 = arith.constant 79 : i32
    %scan3A_30 = arith.addi %scan3A_28, %scan3A_29 : i32
    %scan3A_31 = arith.constant 1 : i32
    scf.for %scan3A_40 = %scan3A_28 to %scan3A_30 step %scan3A_31  : i32 {
      %dma_start3A = arith.constant 0 : i32
      %dma_start3A_41 = tpu.memref_slice %arg7[%scan3A_40, %dma_start3A] : memref<79x128xi32, #tpu.memory_space<vmem>> -> memref<1x128xi32, #tpu.memory_space<vmem>>
      %dma_start3A_42 = tpu.memref_squeeze %dma_start3A_41 : memref<1x128xi32, #tpu.memory_space<vmem>> -> memref<128xi32, #tpu.memory_space<vmem>>
      %dma_start3A_43 = arith.constant 0 : i32
      %dma_start3A_44 = arith.constant 0 : i32
      %dma_start3A_45 = tpu.memref_slice %arg2[%dma_start3A_43, %dma_start3A_44] : memref<10000x128xf32, #tpu.memory_space<hbm>> -> memref<10000x128xf32, #tpu.memory_space<hbm>>
      tpu.enqueue_indirect_dma source(%dma_start3A_45 : memref<10000x128xf32, #tpu.memory_space<hbm>>) target(%arg9 : memref<128x128xf32, #tpu.memory_space<vmem>>) offsets(%dma_start3A_42 : memref<128xi32, #tpu.memory_space<vmem>>) semaphore(%arg11 : memref<!tpu.dma_semaphore, #tpu.memory_space<semaphore_mem>>)
      %dma_wait3A = arith.constant 0 : i32
      %dma_wait3A_46 = tpu.memref_slice %arg7[%scan3A_40, %dma_wait3A] : memref<79x128xi32, #tpu.memory_space<vmem>> -> memref<1x128xi32, #tpu.memory_space<vmem>>
      %dma_wait3A_47 = tpu.memref_squeeze %dma_wait3A_46 : memref<1x128xi32, #tpu.memory_space<vmem>> -> memref<128xi32, #tpu.memory_space<vmem>>
      %dma_wait3A_48 = arith.constant 0 : i32
      %dma_wait3A_49 = arith.constant 0 : i32
      %dma_wait3A_50 = tpu.memref_slice %arg2[%dma_wait3A_48, %dma_wait3A_49] : memref<10000x128xf32, #tpu.memory_space<hbm>> -> memref<10000x128xf32, #tpu.memory_space<hbm>>
      tpu.wait_indirect_dma semaphore(%arg11 : memref<!tpu.dma_semaphore, #tpu.memory_space<semaphore_mem>>) src(%dma_wait3A_50 : memref<10000x128xf32, #tpu.memory_space<hbm>>) dst(%arg9 : memref<128x128xf32, #tpu.memory_space<vmem>>)
      "tpu.region"() ({
        %run_scoped3A = tpu.sem_alloc : memref<!tpu.dma_semaphore, #tpu.memory_space<semaphore_mem>>
        %dma_start3A_51 = arith.constant 0 : i32
        %dma_start3A_52 = tpu.memref_slice %arg8[%scan3A_40, %dma_start3A_51] : memref<79x128xi32, #tpu.memory_space<vmem>> -> memref<1x128xi32, #tpu.memory_space<vmem>>
        %dma_start3A_53 = tpu.memref_squeeze %dma_start3A_52 : memref<1x128xi32, #tpu.memory_space<vmem>> -> memref<128xi32, #tpu.memory_space<vmem>>
        %dma_start3A_54 = arith.constant 0 : i32
        %dma_start3A_55 = arith.constant 0 : i32
        %dma_start3A_56 = tpu.memref_slice %arg10[%dma_start3A_54, %dma_start3A_55] : memref<10016x128xf32, #tpu.memory_space<vmem_shared>> -> memref<10016x128xf32, #tpu.memory_space<vmem_shared>>
        tpu.enqueue_indirect_dma source(%arg9 : memref<128x128xf32, #tpu.memory_space<vmem>>) target(%dma_start3A_56 : memref<10016x128xf32, #tpu.memory_space<vmem_shared>>) offsets(%dma_start3A_53 : memref<128xi32, #tpu.memory_space<vmem>>) semaphore(%run_scoped3A : memref<!tpu.dma_semaphore, #tpu.memory_space<semaphore_mem>>) {add = true}
        %dma_wait3A_57 = arith.constant 0 : i32
        %dma_wait3A_58 = tpu.memref_slice %arg8[%scan3A_40, %dma_wait3A_57] : memref<79x128xi32, #tpu.memory_space<vmem>> -> memref<1x128xi32, #tpu.memory_space<vmem>>
        %dma_wait3A_59 = tpu.memref_squeeze %dma_wait3A_58 : memref<1x128xi32, #tpu.memory_space<vmem>> -> memref<128xi32, #tpu.memory_space<vmem>>
        %dma_wait3A_60 = arith.constant 0 : i32
        %dma_wait3A_61 = arith.constant 0 : i32
        %dma_wait3A_62 = tpu.memref_slice %arg10[%dma_wait3A_60, %dma_wait3A_61] : memref<10016x128xf32, #tpu.memory_space<vmem_shared>> -> memref<10016x128xf32, #tpu.memory_space<vmem_shared>>
        tpu.wait_indirect_dma semaphore(%run_scoped3A : memref<!tpu.dma_semaphore, #tpu.memory_space<semaphore_mem>>) src(%arg9 : memref<128x128xf32, #tpu.memory_space<vmem>>) dst(%dma_wait3A_62 : memref<10016x128xf32, #tpu.memory_space<vmem_shared>>)
        tpu.yield
      }) : () -> ()
      "tpu.region"() ({
        %run_scoped3A = tpu.sem_alloc : memref<!tpu.dma_semaphore, #tpu.memory_space<semaphore_mem>>
        %dma_start3A_51 = arith.constant 0 : i32
        %dma_start3A_52 = tpu.memref_slice %arg8[%scan3A_40, %dma_start3A_51] : memref<79x128xi32, #tpu.memory_space<vmem>> -> memref<1x128xi32, #tpu.memory_space<vmem>>
        %dma_start3A_53 = tpu.memref_squeeze %dma_start3A_52 : memref<1x128xi32, #tpu.memory_space<vmem>> -> memref<128xi32, #tpu.memory_space<vmem>>
        %dma_start3A_54 = arith.constant 0 : i32
        %dma_start3A_55 = arith.constant 0 : i32
        %dma_start3A_56 = tpu.memref_slice %arg13[%dma_start3A_54, %dma_start3A_55] : memref<10016x16xf32, #tpu.memory_space<vmem_shared>> -> memref<10016x16xf32, #tpu.memory_space<vmem_shared>>
        tpu.enqueue_indirect_dma source(%arg12 : memref<128x16xf32, #tpu.memory_space<vmem>>) target(%dma_start3A_56 : memref<10016x16xf32, #tpu.memory_space<vmem_shared>>) offsets(%dma_start3A_53 : memref<128xi32, #tpu.memory_space<vmem>>) semaphore(%run_scoped3A : memref<!tpu.dma_semaphore, #tpu.memory_space<semaphore_mem>>) {add = true}
        %dma_wait3A_57 = arith.constant 0 : i32
        %dma_wait3A_58 = tpu.memref_slice %arg8[%scan3A_40, %dma_wait3A_57] : memref<79x128xi32, #tpu.memory_space<vmem>> -> memref<1x128xi32, #tpu.memory_space<vmem>>
        %dma_wait3A_59 = tpu.memref_squeeze %dma_wait3A_58 : memref<1x128xi32, #tpu.memory_space<vmem>> -> memref<128xi32, #tpu.memory_space<vmem>>
        %dma_wait3A_60 = arith.constant 0 : i32
        %dma_wait3A_61 = arith.constant 0 : i32
        %dma_wait3A_62 = tpu.memref_slice %arg13[%dma_wait3A_60, %dma_wait3A_61] : memref<10016x16xf32, #tpu.memory_space<vmem_shared>> -> memref<10016x16xf32, #tpu.memory_space<vmem_shared>>
        tpu.wait_indirect_dma semaphore(%run_scoped3A : memref<!tpu.dma_semaphore, #tpu.memory_space<semaphore_mem>>) src(%arg12 : memref<128x16xf32, #tpu.memory_space<vmem>>) dst(%dma_wait3A_62 : memref<10016x16xf32, #tpu.memory_space<vmem_shared>>)
        tpu.yield
      }) : () -> ()
    }
    %scan3A_32 = arith.constant 79 : i32
    %barrier3A_33 = arith.constant 0 : index
    tpu.barrier barrier_id(%barrier3A_33)
    %mul3A_34 = arith.constant 10016 : i32
    %mul3A_35 = arith.muli %arg0, %mul3A_34 : i32
    %add3A_36 = arith.addi %mul3A_35, %mul3A_2 : i32
    "tpu.region"() ({
      %run_scoped3A = tpu.sem_alloc : memref<!tpu.dma_semaphore, #tpu.memory_space<semaphore_mem>>
      %dma_start3A = arith.constant 0 : i32
      %dma_start3A_40 = tpu.memref_slice %arg5[%add3A_36, %dma_start3A] : memref<20032x128xf32, #tpu.memory_space<hbm>> -> memref<626x128xf32, #tpu.memory_space<hbm>>
      %dma_start3A_41 = arith.constant 0 : i32
      %dma_start3A_42 = tpu.memref_slice %arg10[%mul3A_2, %dma_start3A_41] : memref<10016x128xf32, #tpu.memory_space<vmem_shared>> -> memref<626x128xf32, #tpu.memory_space<vmem_shared>>
      tpu.enqueue_dma source(%dma_start3A_42 : memref<626x128xf32, #tpu.memory_space<vmem_shared>>) target(%dma_start3A_40 : memref<626x128xf32, #tpu.memory_space<hbm>>) target_semaphore(%run_scoped3A : memref<!tpu.dma_semaphore, #tpu.memory_space<semaphore_mem>>)
      %dma_wait3A = arith.constant 0 : i32
      %dma_wait3A_43 = tpu.memref_slice %arg5[%add3A_36, %dma_wait3A] : memref<20032x128xf32, #tpu.memory_space<hbm>> -> memref<626x128xf32, #tpu.memory_space<hbm>>
      %dma_wait3A_44 = arith.constant 0 : i32
      %dma_wait3A_45 = tpu.memref_slice %arg10[%mul3A_2, %dma_wait3A_44] : memref<10016x128xf32, #tpu.memory_space<vmem_shared>> -> memref<626x128xf32, #tpu.memory_space<vmem_shared>>
      tpu.wait_dma2 semaphore(%run_scoped3A : memref<!tpu.dma_semaphore, #tpu.memory_space<semaphore_mem>>) src(%dma_wait3A_45 : memref<626x128xf32, #tpu.memory_space<vmem_shared>>) dst(%dma_wait3A_43 : memref<626x128xf32, #tpu.memory_space<hbm>>)
      tpu.yield
    }) : () -> ()
    %mul3A_37 = arith.constant 10016 : i32
    %mul3A_38 = arith.muli %arg0, %mul3A_37 : i32
    %add3A_39 = arith.addi %mul3A_38, %mul3A_2 : i32
    "tpu.region"() ({
      %run_scoped3A = tpu.sem_alloc : memref<!tpu.dma_semaphore, #tpu.memory_space<semaphore_mem>>
      %dma_start3A = arith.constant 0 : i32
      %dma_start3A_40 = tpu.memref_slice %arg6[%add3A_39, %dma_start3A] : memref<20032x16xf32, #tpu.memory_space<hbm>> -> memref<626x16xf32, #tpu.memory_space<hbm>>
      %dma_start3A_41 = arith.constant 0 : i32
      %dma_start3A_42 = tpu.memref_slice %arg13[%mul3A_2, %dma_start3A_41] : memref<10016x16xf32, #tpu.memory_space<vmem_shared>> -> memref<626x16xf32, #tpu.memory_space<vmem_shared>>
      tpu.enqueue_dma source(%dma_start3A_42 : memref<626x16xf32, #tpu.memory_space<vmem_shared>>) target(%dma_start3A_40 : memref<626x16xf32, #tpu.memory_space<hbm>>) target_semaphore(%run_scoped3A : memref<!tpu.dma_semaphore, #tpu.memory_space<semaphore_mem>>)
      %dma_wait3A = arith.constant 0 : i32
      %dma_wait3A_43 = tpu.memref_slice %arg6[%add3A_39, %dma_wait3A] : memref<20032x16xf32, #tpu.memory_space<hbm>> -> memref<626x16xf32, #tpu.memory_space<hbm>>
      %dma_wait3A_44 = arith.constant 0 : i32
      %dma_wait3A_45 = tpu.memref_slice %arg13[%mul3A_2, %dma_wait3A_44] : memref<10016x16xf32, #tpu.memory_space<vmem_shared>> -> memref<626x16xf32, #tpu.memory_space<vmem_shared>>
      tpu.wait_dma2 semaphore(%run_scoped3A : memref<!tpu.dma_semaphore, #tpu.memory_space<semaphore_mem>>) src(%dma_wait3A_45 : memref<626x16xf32, #tpu.memory_space<vmem_shared>>) dst(%dma_wait3A_43 : memref<626x16xf32, #tpu.memory_space<hbm>>)
      tpu.yield
    }) : () -> ()
    return
  }
}

module attributes {stable_mosaic.version = 14 : i64} {
  func.func @body(%arg0: i32, %arg1: memref<1000x128xf32, #tpu.memory_space<vmem>>, %arg2: memref<1000x128xf32, #tpu.memory_space<vmem>>, %arg3: memref<1000x128xf32, #tpu.memory_space<vmem>>, %arg4: memref<1000x16xf32, #tpu.memory_space<vmem>>, %arg5: memref<1000x16xf32, #tpu.memory_space<vmem>>, %arg6: memref<128x128xf32, #tpu.memory_space<vmem>>, %arg7: memref<128x128xf32, #tpu.memory_space<vmem>>, %arg8: memref<1x128xf32, #tpu.memory_space<vmem>>, %arg9: memref<128x128xf32, #tpu.memory_space<vmem>>, %arg10: memref<1000x128xf32, #tpu.memory_space<vmem>>, %arg11: memref<1000x128xf32, #tpu.memory_space<vmem>>) attributes {dimension_semantics = [#tpu.dimension_semantics<arbitrary>], iteration_bounds = array<i64: 10>, scalar_prefetch = 0 : i64, scratch_operands = 0 : i64, tpu.core_type = #tpu.core_type<tc>, window_params = [{transform_indices = @transform_0, window_bounds = array<i64: 1000, 128>}, {transform_indices = @transform_1, window_bounds = array<i64: 1000, 128>}, {transform_indices = @transform_2, window_bounds = array<i64: 1000, 128>}, {transform_indices = @transform_3, window_bounds = array<i64: 1000, 16>}, {transform_indices = @transform_4, window_bounds = array<i64: 1000, 16>}, {pipeline_mode = #tpu.pipeline_mode<synchronous>, transform_indices = @transform_5, window_bounds = array<i64: 128, 128>}, {pipeline_mode = #tpu.pipeline_mode<synchronous>, transform_indices = @transform_6, window_bounds = array<i64: 128, 128>}, {pipeline_mode = #tpu.pipeline_mode<synchronous>, transform_indices = @transform_7, window_bounds = array<i64: 1, 128>}, {pipeline_mode = #tpu.pipeline_mode<synchronous>, transform_indices = @transform_8, window_bounds = array<i64: 128, 128>}, {transform_indices = @transform_9, window_bounds = array<i64: 1000, 128>}, {transform_indices = @transform_10, window_bounds = array<i64: 1000, 128>}]} {
    %get3A = arith.constant 0 : index
    %get3A_0 = arith.constant 0 : index
    %get3A_1 = vector.load %arg4[%get3A, %get3A_0] : memref<1000x16xf32, #tpu.memory_space<vmem>>, vector<1000x16xf32>
    %get3A_2 = arith.constant 0 : index
    %get3A_3 = arith.constant 0 : index
    %get3A_4 = vector.load %arg5[%get3A_2, %get3A_3] : memref<1000x16xf32, #tpu.memory_space<vmem>>, vector<1000x16xf32>
    %add3A = arith.addf %get3A_1, %get3A_4 : vector<1000x16xf32>
    %reduce_sum3A = arith.constant dense<0.000000e+00> : vector<1000xf32>
    %reduce_sum3A_5 = vector.multi_reduction <add>, %add3A, %reduce_sum3A [1] : vector<1000x16xf32> to vector<1000xf32>
    %broadcast_in_dim3A = vector.shape_cast %reduce_sum3A_5 : vector<1000xf32> to vector<1000x1xf32>
    %mul3A = arith.constant 6.250000e-02 : f32
    %mul3A_6 = vector.broadcast %mul3A : f32 to vector<1000x1xf32>
    %mul3A_7 = arith.mulf %broadcast_in_dim3A, %mul3A_6 : vector<1000x1xf32>
    %max3A = arith.constant 1.000000e+00 : f32
    %max3A_8 = vector.broadcast %max3A : f32 to vector<1000x1xf32>
    %max3A_9 = arith.maximumf %mul3A_7, %max3A_8 : vector<1000x1xf32>
    %div3A = arith.constant 1.000000e+00 : f32
    %div3A_10 = vector.broadcast %div3A : f32 to vector<1000x1xf32>
    %div3A_11 = arith.divf %div3A_10, %max3A_9 : vector<1000x1xf32>
    %get3A_12 = arith.constant 0 : index
    %get3A_13 = arith.constant 0 : index
    %get3A_14 = vector.load %arg2[%get3A_12, %get3A_13] : memref<1000x128xf32, #tpu.memory_space<vmem>>, vector<1000x128xf32>
    %get3A_15 = arith.constant 0 : index
    %get3A_16 = arith.constant 0 : index
    %get3A_17 = vector.load %arg3[%get3A_15, %get3A_16] : memref<1000x128xf32, #tpu.memory_space<vmem>>, vector<1000x128xf32>
    %add3A_18 = arith.addf %get3A_14, %get3A_17 : vector<1000x128xf32>
    %mul3A_19 = vector.broadcast %div3A_11 : vector<1000x1xf32> to vector<1000x128xf32>
    %mul3A_20 = arith.mulf %add3A_18, %mul3A_19 : vector<1000x128xf32>
    %get3A_21 = arith.constant 0 : index
    %get3A_22 = arith.constant 0 : index
    %get3A_23 = vector.load %arg1[%get3A_21, %get3A_22] : memref<1000x128xf32, #tpu.memory_space<vmem>>, vector<1000x128xf32>
    %get3A_24 = arith.constant 0 : index
    %get3A_25 = arith.constant 0 : index
    %get3A_26 = vector.load %arg6[%get3A_24, %get3A_25] : memref<128x128xf32, #tpu.memory_space<vmem>>, vector<128x128xf32>
    %dot_general3A = arith.constant dense<0.000000e+00> : vector<1000x128xf32>
    %dot_general3A_27 = tpu.matmul %get3A_23, %get3A_26, %dot_general3A {dimension_numbers = #tpu.dot_dimension_numbers<[1], [0], [0], [1], [0, 0, 1, 1], [], []>, precision = #tpu.contract_precision<fp32>, transpose_lhs_hint = false} : vector<1000x128xf32>, vector<128x128xf32>, vector<1000x128xf32> -> vector<1000x128xf32>
    %get3A_28 = arith.constant 0 : index
    %get3A_29 = arith.constant 0 : index
    %get3A_30 = vector.load %arg7[%get3A_28, %get3A_29] : memref<128x128xf32, #tpu.memory_space<vmem>>, vector<128x128xf32>
    %dot_general3A_31 = arith.constant dense<0.000000e+00> : vector<1000x128xf32>
    %dot_general3A_32 = tpu.matmul %mul3A_20, %get3A_30, %dot_general3A_31 {dimension_numbers = #tpu.dot_dimension_numbers<[1], [0], [0], [1], [0, 0, 1, 1], [], []>, precision = #tpu.contract_precision<fp32>, transpose_lhs_hint = false} : vector<1000x128xf32>, vector<128x128xf32>, vector<1000x128xf32> -> vector<1000x128xf32>
    %add3A_33 = arith.addf %dot_general3A_27, %dot_general3A_32 : vector<1000x128xf32>
    %get3A_34 = arith.constant 0 : index
    %get3A_35 = arith.constant 0 : index
    %get3A_36 = vector.load %arg8[%get3A_34, %get3A_35] : memref<1x128xf32, #tpu.memory_space<vmem>>, vector<1x128xf32>
    %add3A_37 = vector.broadcast %get3A_36 : vector<1x128xf32> to vector<1000x128xf32>
    %add3A_38 = arith.addf %add3A_33, %add3A_37 : vector<1000x128xf32>
    %max3A_39 = arith.constant 0.000000e+00 : f32
    %max3A_40 = vector.broadcast %max3A_39 : f32 to vector<1000x128xf32>
    %max3A_41 = arith.maximumf %add3A_38, %max3A_40 : vector<1000x128xf32>
    %swap3A = arith.constant 0 : index
    %swap3A_42 = arith.constant 0 : index
    %swap3A_43 = vector.load %arg10[%swap3A, %swap3A_42] : memref<1000x128xf32, #tpu.memory_space<vmem>>, vector<1000x128xf32>
    tpu.vector_store %arg10[%swap3A, %swap3A_42], %max3A_41 {strides = array<i32>} : memref<1000x128xf32, #tpu.memory_space<vmem>>, vector<1000x128xf32>,
    %get3A_44 = arith.constant 0 : index
    %get3A_45 = arith.constant 0 : index
    %get3A_46 = vector.load %arg9[%get3A_44, %get3A_45] : memref<128x128xf32, #tpu.memory_space<vmem>>, vector<128x128xf32>
    %dot_general3A_47 = arith.constant dense<0.000000e+00> : vector<1000x128xf32>
    %dot_general3A_48 = tpu.matmul %max3A_41, %get3A_46, %dot_general3A_47 {dimension_numbers = #tpu.dot_dimension_numbers<[1], [0], [0], [1], [0, 0, 1, 1], [], []>, precision = #tpu.contract_precision<fp32>, transpose_lhs_hint = false} : vector<1000x128xf32>, vector<128x128xf32>, vector<1000x128xf32> -> vector<1000x128xf32>
    %swap3A_49 = arith.constant 0 : index
    %swap3A_50 = arith.constant 0 : index
    %swap3A_51 = vector.load %arg11[%swap3A_49, %swap3A_50] : memref<1000x128xf32, #tpu.memory_space<vmem>>, vector<1000x128xf32>
    tpu.vector_store %arg11[%swap3A_49, %swap3A_50], %dot_general3A_48 {strides = array<i32>} : memref<1000x128xf32, #tpu.memory_space<vmem>>, vector<1000x128xf32>,
    return
  }
  func.func @transform_0(%arg0: i32) -> (i32, i32) {
    %c0_i32 = arith.constant 0 : i32
    %c0_i32_0 = arith.constant 0 : i32
    return %arg0, %c0_i32 : i32, i32
  }
  func.func @transform_1(%arg0: i32) -> (i32, i32) {
    %c0_i32 = arith.constant 0 : i32
    %c0_i32_0 = arith.constant 0 : i32
    return %arg0, %c0_i32 : i32, i32
  }
  func.func @transform_2(%arg0: i32) -> (i32, i32) {
    %c0_i32 = arith.constant 0 : i32
    %c0_i32_0 = arith.constant 0 : i32
    return %arg0, %c0_i32 : i32, i32
  }
  func.func @transform_3(%arg0: i32) -> (i32, i32) {
    %c0_i32 = arith.constant 0 : i32
    %c0_i32_0 = arith.constant 0 : i32
    return %arg0, %c0_i32 : i32, i32
  }
  func.func @transform_4(%arg0: i32) -> (i32, i32) {
    %c0_i32 = arith.constant 0 : i32
    %c0_i32_0 = arith.constant 0 : i32
    return %arg0, %c0_i32 : i32, i32
  }
  func.func @transform_5(%arg0: i32) -> (i32, i32) {
    %c0_i32 = arith.constant 0 : i32
    %c0_i32_0 = arith.constant 0 : i32
    %c0_i32_1 = arith.constant 0 : i32
    return %c0_i32, %c0_i32_0 : i32, i32
  }
  func.func @transform_6(%arg0: i32) -> (i32, i32) {
    %c0_i32 = arith.constant 0 : i32
    %c0_i32_0 = arith.constant 0 : i32
    %c0_i32_1 = arith.constant 0 : i32
    return %c0_i32, %c0_i32_0 : i32, i32
  }
  func.func @transform_7(%arg0: i32) -> (i32, i32) {
    %c0_i32 = arith.constant 0 : i32
    %c0_i32_0 = arith.constant 0 : i32
    %c0_i32_1 = arith.constant 0 : i32
    return %c0_i32, %c0_i32_0 : i32, i32
  }
  func.func @transform_8(%arg0: i32) -> (i32, i32) {
    %c0_i32 = arith.constant 0 : i32
    %c0_i32_0 = arith.constant 0 : i32
    %c0_i32_1 = arith.constant 0 : i32
    return %c0_i32, %c0_i32_0 : i32, i32
  }
  func.func @transform_9(%arg0: i32) -> (i32, i32) {
    %c0_i32 = arith.constant 0 : i32
    %c0_i32_0 = arith.constant 0 : i32
    return %arg0, %c0_i32 : i32, i32
  }
  func.func @transform_10(%arg0: i32) -> (i32, i32) {
    %c0_i32 = arith.constant 0 : i32
    %c0_i32_0 = arith.constant 0 : i32
    return %arg0, %c0_i32 : i32, i32
  }
}

module attributes {stable_mosaic.version = 14 : i64} {
  func.func @body(%arg0: i32, %arg1: memref<1000x128xf32, #tpu.memory_space<vmem>>, %arg2: memref<1000x128xf32, #tpu.memory_space<vmem>>, %arg3: memref<1000x128xf32, #tpu.memory_space<vmem>>, %arg4: memref<1000x16xf32, #tpu.memory_space<vmem>>, %arg5: memref<1000x16xf32, #tpu.memory_space<vmem>>, %arg6: memref<128x128xf32, #tpu.memory_space<vmem>>, %arg7: memref<1x128xf32, #tpu.memory_space<vmem>>, %arg8: memref<1000x128xf32, #tpu.memory_space<vmem>>) attributes {dimension_semantics = [#tpu.dimension_semantics<arbitrary>], iteration_bounds = array<i64: 10>, scalar_prefetch = 0 : i64, scratch_operands = 0 : i64, tpu.core_type = #tpu.core_type<tc>, window_params = [{transform_indices = @transform_0, window_bounds = array<i64: 1000, 128>}, {transform_indices = @transform_1, window_bounds = array<i64: 1000, 128>}, {transform_indices = @transform_2, window_bounds = array<i64: 1000, 128>}, {transform_indices = @transform_3, window_bounds = array<i64: 1000, 16>}, {transform_indices = @transform_4, window_bounds = array<i64: 1000, 16>}, {pipeline_mode = #tpu.pipeline_mode<synchronous>, transform_indices = @transform_5, window_bounds = array<i64: 128, 128>}, {pipeline_mode = #tpu.pipeline_mode<synchronous>, transform_indices = @transform_6, window_bounds = array<i64: 1, 128>}, {transform_indices = @transform_7, window_bounds = array<i64: 1000, 128>}]} {
    %get3A = arith.constant 0 : index
    %get3A_0 = arith.constant 0 : index
    %get3A_1 = vector.load %arg4[%get3A, %get3A_0] : memref<1000x16xf32, #tpu.memory_space<vmem>>, vector<1000x16xf32>
    %get3A_2 = arith.constant 0 : index
    %get3A_3 = arith.constant 0 : index
    %get3A_4 = vector.load %arg5[%get3A_2, %get3A_3] : memref<1000x16xf32, #tpu.memory_space<vmem>>, vector<1000x16xf32>
    %add3A = arith.addf %get3A_1, %get3A_4 : vector<1000x16xf32>
    %reduce_sum3A = arith.constant dense<0.000000e+00> : vector<1000xf32>
    %reduce_sum3A_5 = vector.multi_reduction <add>, %add3A, %reduce_sum3A [1] : vector<1000x16xf32> to vector<1000xf32>
    %broadcast_in_dim3A = vector.shape_cast %reduce_sum3A_5 : vector<1000xf32> to vector<1000x1xf32>
    %mul3A = arith.constant 6.250000e-02 : f32
    %mul3A_6 = vector.broadcast %mul3A : f32 to vector<1000x1xf32>
    %mul3A_7 = arith.mulf %broadcast_in_dim3A, %mul3A_6 : vector<1000x1xf32>
    %max3A = arith.constant 1.000000e+00 : f32
    %max3A_8 = vector.broadcast %max3A : f32 to vector<1000x1xf32>
    %max3A_9 = arith.maximumf %mul3A_7, %max3A_8 : vector<1000x1xf32>
    %div3A = arith.constant 1.000000e+00 : f32
    %div3A_10 = vector.broadcast %div3A : f32 to vector<1000x1xf32>
    %div3A_11 = arith.divf %div3A_10, %max3A_9 : vector<1000x1xf32>
    %get3A_12 = arith.constant 0 : index
    %get3A_13 = arith.constant 0 : index
    %get3A_14 = vector.load %arg1[%get3A_12, %get3A_13] : memref<1000x128xf32, #tpu.memory_space<vmem>>, vector<1000x128xf32>
    %get3A_15 = arith.constant 0 : index
    %get3A_16 = arith.constant 0 : index
    %get3A_17 = vector.load %arg6[%get3A_15, %get3A_16] : memref<128x128xf32, #tpu.memory_space<vmem>>, vector<128x128xf32>
    %dot_general3A = arith.constant dense<0.000000e+00> : vector<1000x128xf32>
    %dot_general3A_18 = tpu.matmul %get3A_14, %get3A_17, %dot_general3A {dimension_numbers = #tpu.dot_dimension_numbers<[1], [0], [0], [1], [0, 0, 1, 1], [], []>, precision = #tpu.contract_precision<fp32>, transpose_lhs_hint = false} : vector<1000x128xf32>, vector<128x128xf32>, vector<1000x128xf32> -> vector<1000x128xf32>
    %get3A_19 = arith.constant 0 : index
    %get3A_20 = arith.constant 0 : index
    %get3A_21 = vector.load %arg2[%get3A_19, %get3A_20] : memref<1000x128xf32, #tpu.memory_space<vmem>>, vector<1000x128xf32>
    %get3A_22 = arith.constant 0 : index
    %get3A_23 = arith.constant 0 : index
    %get3A_24 = vector.load %arg3[%get3A_22, %get3A_23] : memref<1000x128xf32, #tpu.memory_space<vmem>>, vector<1000x128xf32>
    %add3A_25 = arith.addf %get3A_21, %get3A_24 : vector<1000x128xf32>
    %mul3A_26 = vector.broadcast %div3A_11 : vector<1000x1xf32> to vector<1000x128xf32>
    %mul3A_27 = arith.mulf %add3A_25, %mul3A_26 : vector<1000x128xf32>
    %add3A_28 = arith.addf %dot_general3A_18, %mul3A_27 : vector<1000x128xf32>
    %get3A_29 = arith.constant 0 : index
    %get3A_30 = arith.constant 0 : index
    %get3A_31 = vector.load %arg7[%get3A_29, %get3A_30] : memref<1x128xf32, #tpu.memory_space<vmem>>, vector<1x128xf32>
    %add3A_32 = vector.broadcast %get3A_31 : vector<1x128xf32> to vector<1000x128xf32>
    %add3A_33 = arith.addf %add3A_28, %add3A_32 : vector<1000x128xf32>
    %swap3A = arith.constant 0 : index
    %swap3A_34 = arith.constant 0 : index
    %swap3A_35 = vector.load %arg8[%swap3A, %swap3A_34] : memref<1000x128xf32, #tpu.memory_space<vmem>>, vector<1000x128xf32>
    tpu.vector_store %arg8[%swap3A, %swap3A_34], %add3A_33 {strides = array<i32>} : memref<1000x128xf32, #tpu.memory_space<vmem>>, vector<1000x128xf32>,
    return
  }
  func.func @transform_0(%arg0: i32) -> (i32, i32) {
    %c0_i32 = arith.constant 0 : i32
    %c0_i32_0 = arith.constant 0 : i32
    return %arg0, %c0_i32 : i32, i32
  }
  func.func @transform_1(%arg0: i32) -> (i32, i32) {
    %c0_i32 = arith.constant 0 : i32
    %c0_i32_0 = arith.constant 0 : i32
    return %arg0, %c0_i32 : i32, i32
  }
  func.func @transform_2(%arg0: i32) -> (i32, i32) {
    %c0_i32 = arith.constant 0 : i32
    %c0_i32_0 = arith.constant 0 : i32
    return %arg0, %c0_i32 : i32, i32
  }
  func.func @transform_3(%arg0: i32) -> (i32, i32) {
    %c0_i32 = arith.constant 0 : i32
    %c0_i32_0 = arith.constant 0 : i32
    return %arg0, %c0_i32 : i32, i32
  }
  func.func @transform_4(%arg0: i32) -> (i32, i32) {
    %c0_i32 = arith.constant 0 : i32
    %c0_i32_0 = arith.constant 0 : i32
    return %arg0, %c0_i32 : i32, i32
  }
  func.func @transform_5(%arg0: i32) -> (i32, i32) {
    %c0_i32 = arith.constant 0 : i32
    %c0_i32_0 = arith.constant 0 : i32
    %c0_i32_1 = arith.constant 0 : i32
    return %c0_i32, %c0_i32_0 : i32, i32
  }
  func.func @transform_6(%arg0: i32) -> (i32, i32) {
    %c0_i32 = arith.constant 0 : i32
    %c0_i32_0 = arith.constant 0 : i32
    %c0_i32_1 = arith.constant 0 : i32
    return %c0_i32, %c0_i32_0 : i32, i32
  }
  func.func @transform_7(%arg0: i32) -> (i32, i32) {
    %c0_i32 = arith.constant 0 : i32
    %c0_i32_0 = arith.constant 0 : i32
    return %arg0, %c0_i32 : i32, i32
  }
}

</mosaic_0001>

<sc_bundles>
// kernel: kernel.6.cloned.1.call-start
scs
__scs_entry_jumppad:
0x0: {  	(pc) =	sbr.rel $0x88, $3  }
0x1: {  	(tag) =	ssettag $0x0;
	lr =	simm.s32 $0x1  }
0x2: {  	[smem:$0x3F99] =	sst lr;
	_ =	strace $0xD0000000  }
0x3: {  	_ = 	snop  }
0x4: {  	_ = 	snop  }
0x5: {  	_ = 	snop  }
0x6: {  	_ = 	snop  }
0x7: {  	_ = 	snop  }
__scs_overlays_trampoline_lowered:
0x8: {  	[smem:$0x3FA8] =	sst s0  }
0x9: {  	[smem:$0x3FA9] =	sst s1  }
0xa: {  	[smem:$0x3FAA] =	sst s2  }
0xb: {  	[smem:$0x3FAB] =	sst s3  }
0xc: {  	[smem:$0x3FAC] =	sst s4  }
0xd: {  	[smem:$0x3FAD] =	sst s5  }
0xe: {  	[smem:$0x3FAE] =	sst s6  }
0xf: {  	[smem:$0x3FAF] =	sst s7  }
0x10: {  	[smem:$0x3FB0] =	sst s8  }
0x11: {  	[smem:$0x3FB1] =	sst s9;
	s0 =	simm.s32 @!p0 $0x0  }
0x12: {  	s1 =	sld [smem:$0x3F97];
	s0 =	simm.s32 @p0 $0x1  }
0x13: {  	[smem:$0x3FB2] =	sst s0;
	s0 =	simm.s32 @!p1 $0x0  }
0x14: {  	s2 =	sld [smem:$0x3F96];
	s0 =	simm.s32 @p1 $0x1  }
0x15: {  	[smem:$0x3FB3] =	sst s0;
	s0 =	simm.s32 @!p2 $0x0  }
0x16: {  	s3 =	sld [smem:$0x3FDB];
	s0 =	simm.s32 @p2 $0x1  }
0x17: {  	s4 =	simm.s32 $0x1BF5;
	[smem:$0x3FB5] =	sst s0  }
0x18: {  	s0 =	sld [smem:$0x3F98];
	_ =	swait.ge [sflag:s4], $0x0  }
0x19: {  	s7 =	sld [smem:$0x3F99]  }
0x1a: {  	s8 =	sadd.s32 $0xFFFFE003, lr  }
0x1b: {  	s9 =	sadd.s32 $0xFFFFFEF7, lr;
	s5 =	simm.s32 $0xFFFFFFFF;
	p2 =	slt.u32 s8, $0xFFFFF086  }
0x1c: {  	p1 =	slt.u32 s9, $0xF7A;
	s5 =	simm.s32 @!p2 $0x0  }
0x1d: {  	s5 =	simm.s32 @p1 $0x1;
	p0 =	seq.s32 s7, s2  }
0x1e: {  	s7 =	smul.u32 @!p0 $0xF7A, s2;
	p2 =	seq.s32 @!p0 s5, $0x0  }
0x1f: {  	s9 =	smul.u32 $0xF7A, s1;
	s8 =	simm.s32 @!p0 $0x1BF5;
	p2 =	por !p2, p0  }
0x20: {  	[sflag:s8] =	ssyncset.s32 @!p0 $0xFFFFF086;
	s6 =	sadd.s32 @!p0 s3, s7;
	s7 =	simm.s32 @!p0 $0x108  }
0x21: {  	s3 =	sadd.s32 s3, s9;
	s6 =	sadd.s32 @!p0 $0x88, s6;
	s7 =	simm.s32 @p2 $0x1082  }
0x22: {  	[simem:s7], [sflag:s8] =	dma.local @!p0 [hbm:s6], $0xF7A  }
0x23: {  	s9 =	sor.u32 $0xD0000000, s2;
	s6 =	simm.s32 $0x108;
	_ =	swait.ge @!p0 [sflag:s8], $0x0  }
0x24: {  	s3 =	sadd.s32 $0x88, s3;
	s6 =	simm.s32 @!p1 $0x1082;
	[sflag:s4] =	ssyncset.s32 $0xFFFFF086  }
0x25: {  	[simem:s6], [sflag:s4] =	dma.local [hbm:s3], $0xF7A  }
0x26: {  	[smem:$0x3F99] =	sst s1;
	(tag) =	ssettag s2;
	_ =	strace s9  }
0x27: {  	s1 =	sld [smem:$0x3FA9]  }
0x28: {  	s2 =	sld [smem:$0x3FAA]  }
0x29: {  	s4 =	sld [smem:$0x3FAC]  }
0x2a: {  	p0 =	seq.s32 s5, $0x0;
	s5 =	sld [smem:$0x3FAD]  }
0x2b: {  	s6 =	sld [smem:$0x3FAE]  }
0x2c: {  	s7 =	sld [smem:$0x3FAF]  }
0x2d: {  	s3 =	simm.s32 $0x108;
	s8 =	sld [smem:$0x3FB0]  }
0x2e: {  	s3 =	simm.s32 @!p0 $0x1082;
	s9 =	sld [smem:$0x3FB1]  }
0x2f: {  	lr =	sadd.s32 s0, s3;
	s0 =	sld [smem:$0x3FA8]  }
0x30: {  	s3 =	sld [smem:$0x3FAB]  }
0x31: {  	[smem:$0x3FB4] =	sst s10  }
0x32: {  	s10 =	sld [smem:$0x3FB2];
	_ =	sdelay $0x3  }
0x33: {  	p0 =	seq.s32 s10, $0x1;
	s10 =	sld [smem:$0x3FB4];
	_ =	sdelay $0x3  }
0x34: {  	[smem:$0x3FB4] =	sst s10  }
0x35: {  	s10 =	sld [smem:$0x3FB3];
	_ =	sdelay $0x3  }
0x36: {  	p1 =	seq.s32 s10, $0x1;
	s10 =	sld [smem:$0x3FB4];
	_ =	sdelay $0x3  }
0x37: {  	[smem:$0x3FB4] =	sst s10  }
0x38: {  	s10 =	sld [smem:$0x3FB5]  }
0x39: {  	_ = 	snop;
	(pc) =	sbr.ind lr, $3  }
0x3a: {  	_ = 	snop  }
0x3b: {  	_ = 	snop  }
0x3c: {  	p2 =	seq.s32 s10, $0x1;
	s10 =	sld [smem:$0x3FB4]  }
0x3d: {  	_ =	shalt  }
0x3e: {  	_ =	shalt  }
0x3f: {  	_ =	shalt  }
0x40: {  	_ =	shalt  }
0x41: {  	_ =	shalt  }
0x42: {  	_ =	shalt  }
0x43: {  	_ =	shalt  }
0x44: {  	_ =	shalt  }
0x45: {  	_ =	shalt  }
0x46: {  	_ =	shalt  }
0x47: {  	_ =	shalt  }
0x48: {  	_ =	shalt  }
0x49: {  	_ =	shalt  }
0x4a: {  	_ =	shalt  }
0x4b: {  	_ =	shalt  }
0x4c: {  	_ =	shalt  }
0x4d: {  	_ =	shalt  }
0x4e: {  	_ =	shalt  }
0x4f: {  	_ =	shalt  }
0x50: {  	_ =	shalt  }
0x51: {  	_ =	shalt  }
0x52: {  	_ =	shalt  }
0x53: {  	_ =	shalt  }
0x54: {  	_ =	shalt  }
0x55: {  	_ =	shalt  }
0x56: {  	_ =	shalt  }
0x57: {  	_ =	shalt  }
0x58: {  	_ =	shalt  }
0x59: {  	_ =	shalt  }
0x5a: {  	_ =	shalt  }
0x5b: {  	_ =	shalt  }
0x5c: {  	_ =	shalt  }
0x5d: {  	_ =	shalt  }
0x5e: {  	_ =	shalt  }
0x5f: {  	_ =	shalt  }
0x60: {  	_ =	shalt  }
0x61: {  	_ =	shalt  }
0x62: {  	_ =	shalt  }
0x63: {  	_ =	shalt  }
0x64: {  	_ =	shalt  }
0x65: {  	_ =	shalt  }
0x66: {  	_ =	shalt  }
0x67: {  	_ =	shalt  }
0x68: {  	_ =	shalt  }
0x69: {  	_ =	shalt  }
0x6a: {  	_ =	shalt  }
0x6b: {  	_ =	shalt  }
0x6c: {  	_ =	shalt  }
0x6d: {  	_ =	shalt  }
0x6e: {  	_ =	shalt  }
0x6f: {  	_ =	shalt  }
0x70: {  	_ =	shalt  }
0x71: {  	_ =	shalt  }
0x72: {  	_ =	shalt  }
0x73: {  	_ =	shalt  }
0x74: {  	_ =	shalt  }
0x75: {  	_ =	shalt  }
0x76: {  	_ =	shalt  }
0x77: {  	_ =	shalt  }
0x78: {  	_ =	shalt  }
0x79: {  	_ =	shalt  }
0x7a: {  	_ =	shalt  }
0x7b: {  	_ =	shalt  }
0x7c: {  	_ =	shalt  }
0x7d: {  	_ =	shalt  }
0x7e: {  	_ =	shalt  }
0x7f: {  	_ =	shalt  }
0x80: {  	_ =	shalt  }
0x81: {  	_ =	shalt  }
0x82: {  	_ =	shalt  }
0x83: {  	_ =	shalt  }
0x84: {  	_ =	shalt  }
0x85: {  	_ =	shalt  }
0x86: {  	_ =	shalt  }
0x87: {  	_ =	shalt  }
.Lfunc_end0:
.L_simem_size_0:
called_computation_lowered:
.L_overlay_start_0:
0x88: {  	s2 =	sld [smem:$0x3FD9]  }
0x89: {  	s3 =	sld [smem:$0x3FFE];
	_ =	sdelay $0x1  }
0x8a: {  	s1 =	srdreg.scid  }
0x8b: {  	s0 =	sand.u32 $0x1, s1  }
0x8c: {  	s17 =	sshll.u32 s0, $0xA;
	s2 =	sadd.s32 s3, s2  }
0x8d: {  	s2 =	sadd.s32 s2, s17  }
0x8e: {  	[smem:$0x3FC0] =	sst s2  }
0x8f: {  	_ = 	snop  }
0x90: {  	s2 =	sld [smem:$0x3FC9];
	(tm) =	ssettm $0x1  }
0x91: {  	s18 =	sld [smem:$0x3FFB];
	_ =	sdelay $0x3  }
0x92: {  	_ =	strace s18  }
0x93: {  	s3 =	sld [smem:$0x3FFC];
	_ =	sdelay $0x3  }
0x94: {  	_ =	strace s3  }
0x95: {  	s3 =	sld [smem:$0x3FFD];
	_ =	sdelay $0x3  }
0x96: {  	_ =	strace s3  }
0x97: {  	_ =	strace $0x8FFFFFFF  }
0x98: {  	s19 =	sld [smem:$0x3FDB];
	_ =	sdelay $0x1  }
0x99: {  	s4 =	simm.s32 $_scs_section_size  }
0x9a: {  	s5 =	simm.s32 $_size__tile_overlayer_lowered;
	s6 =	simm.s32 $_tile_overlayer_lowered  }
0x9b: {  	s22 =	simm.s32 $0x1BFF;
	s21 =	sshll.u32 s6, $0x1;
	s3 =	sadd.s32 s4, s19  }
0x9c: {  	s7 =	simm.s32 $0x0;
	s20 =	sshll.u32 s5, $0x1;
	s5 =	sadd.s32 s21, s3  }
0x9d: {  	[timem:s7], [sflag:s22] =	dma.local [hbm:s5], s20  }
0x9e: {  	_ =	swait.ge [sflag:s22], s20  }
0x9f: {  	s4 =	ssub.s32 $0x0, s20;
	[sflag:s22] =	ssyncset.done $0x0  }
0xa0: {  	[sflag:s22] =	ssyncadd.s32 s4;
	_ =	sdelay $0x1  }
0xa1: {  	s23 =	simm.s32 $0x1B8B  }
0xa2: {  	_ =	swait.ge [sflag:s23], $0x1  }
0xa3: {  	[sflag:s23] =	ssyncset.done $0x0  }
0xa4: {  	s25 =	simm.s32 $0x1B8E;
	s24 =	sld [smem:$0x3FFE];
	[sflag:s23] =	ssyncadd.s32 $0xFFFFFFFF  }
0xa5: {  	s26 =	simm.s32 $execute0_lowered;
	[smem:$0x3FD2] =	sst s25  }
0xa6: {  	s5 =	sshll.u32 s26, $0x1;
	_ =	strace $0x80000046;
	[dreg:$0x1] =	wrdreg $0xFFFFFFFF  }
0xa7: {  	s28 =	simm.s32 $_size_execute0_lowered;
	s3 =	sadd.s32 s3, s5;
	[dreg:$0x0] =	wrdreg $0x0  }
0xa8: {  	s5 =	sshll.u32 s28, $0x1;
	[dreg:$0x2] =	wrdreg s3  }
0xa9: {  	[dreg:$0x3] =	wrdreg s5  }
0xaa: {  	[dreg:$0x4] =	wrdreg $0xC0  }
0xab: {  	_ =	task [dreg:s7], $0x5FFFF  }
0xac: {  	[dreg:$0x1] =	wrdreg $0xFFFFFFFF  }
0xad: {  	[dreg:$0x0] =	wrdreg $0x60  }
0xae: {  	[dreg:$0x2] =	wrdreg s2  }
0xaf: {  	[dreg:$0x3] =	wrdreg s24  }
0xb0: {  	[dreg:$0x4] =	wrdreg $0x8F000  }
0xb1: {  	[dreg:$0x5] =	wrdreg $0x1D0000  }
0xb2: {  	[dreg:$0x6] =	wrdreg $0x9  }
0xb3: {  	_ =	task.clear_ibuf [dreg:s7], $0x7FFFF;
	_ =	strace $0x90000046  }
0xb4: {  	s29 =	simm.s32 $0x9;
	_ =	strace $0x80000048  }
0xb5: {  	_ =	swait.ge [sflag:s29], $0x1  }
0xb6: {  	[sflag:s29] =	ssyncadd.s32 $0xFFFFFFFF  }
0xb7: {  	_ =	strace $0x90000048  }
0xb8: {  	_ =	sfence  }
0xb9: {  	s30 =	sld [smem:$0x0];
	_ =	sdelay $0x2  }
0xba: {  	s31 =	sshll.u32 s1, $0xD;
	s1 =	sshrl.u32 s1, $0x2  }
0xbb: {  	s3 =	sand.u32 $0x4000, s31;
	s1 =	sadd.s32 s1, s30  }
0xbc: {  	s0 =	sor.u32 s3, s0;
	s1 =	sshll.u32 s1, $0x11  }
0xbd: {  	s0 =	sor.u32 s1, s0  }
0xbe: {  	s0 =	sadd.s32 $0x8F2B, s0  }
0xbf: {  	[sflag:s0] =	ssyncadd.remote.s32 $0x1  }
0xc0: {  	_ =	sfence.sel $0xFFFF  }
0xc1: {  	[dreg:$0x0] =	wrdreg $0xFFFFFFFF;
	(pc) =	sbr.abs _section_cstart, $3  }
0xc2: {  	[dreg:$0x1] =	wrdreg $0xFFFFFFFF  }
0xc3: {  	_ =	task.clear_ibuf [dreg:s7], $0x2FFFF;
	_ =	strace $0x9FFFFFFF  }
0xc4: {  	(tm) =	ssettm $0x7FFFFFFF  }
0xc5: {  	_ =	shalt  }
tec
execute0_lowered:
.L_overlay_start_1:
0x0: {  	(tag) =	ssettag $0x1  }
0x1: {  	s1 =	rddreg [dreg:$0x0]  }
0x2: {  	s6 =	rddreg [dreg:$0x1]  }
0x3: {  	s3 =	rddreg [dreg:$0x2]  }
0x4: {  	s4 =	rddreg [dreg:$0x3]  }
0x5: {  	s0 =	rddreg [dreg:$0x4];
	s2 =	stileid.u32  }
0x6: {  	s5 =	srdreg.scid;
	s18 =	smul.u32 $0x272, s2  }
0x7: {  	s22 =	simm.s32 $0x2;
	s7 =	sand.u32 $0x1, s5;
	s13 =	smul.u32 $0x4E400, s2  }
0x8: {  	s8 =	sshll.u32 s2, $0x1;
	s5 =	simm.s32 $0x0;
	s15 =	smul.u32 $0x9C80, s2  }
0x9: {  	s8 =	sor.u32 s7, s8;
	s9 =	smul.u32 $0x2720, s7;
	[smem:$0x7FF] =	sst s5  }
0xa: {  	s7 =	ssub.s32 $0x2, s7;
	s8 =	smul.u32 $0x4F0, s8;
	_ =	strace $0x80000047  }
0xb: {  	s25 =	sshrl.u32 s7, $0x1;
	s26 =	sadd.s32 $0x200, s18;
	s13 =	sshrl.u32 s13, $0x2  }
0xc: {  	s30 =	sshrl.u32 s15, $0x2;
	s16 =	sadd.s32 $0x80, s18;
	s19 =	sadd.s32 $0x100, s18  }
0xd: {  	s9 =	sadd.s32 s18, s9;
	s14 =	ssub.s32 s7, s25;
	s28 =	sshll.u32 s26, $0x7  }
0xe: {  	s29 =	sshll.u32 s26, $0x4;
	s31 =	sshll.u32 s16, $0x7;
	s16 =	sshll.u32 s16, $0x4  }
0xf: {  	s17 =	sshll.u32 s19, $0x7;
	s18 =	sadd.s32 $0x180, s18;
	s19 =	sshll.u32 s19, $0x4  }
0x10: {  	s25 =	simm.s32 $0x80;
	s26 =	simm.s32 $0x1;
	s10 =	sadd.s32 s8, s6  }
0x11: {  	s23 =	sshll.u32 s9, $0x4;
	s24 =	sshll.u32 s9, $0x1;
	s7 =	sadd.s32 s29, s4  }
0x12: {  	s14 =	smax.u32 s14, $0x1;
	s15 =	sadd.s32 s31, s3;
	s16 =	sadd.s32 s16, s4  }
0x13: {  	s17 =	sadd.s32 s17, s3;
	s20 =	sshll.u32 s18, $0x7;
	s21 =	sshll.u32 s18, $0x4  }
0x14: {  	s18 =	sadd.s32 s19, s4;
	s11 =	sadd.s32 s23, s6;
	s12 =	sadd.s32 s24, s6  }
0x15: {  	s6 =	sadd.s32 s28, s3;
	s8 =	sadd.s32 $0xCA00, s10;
	s9 =	sadd.s32 $0x2C00, s10  }
0x16: {  	s19 =	sadd.s32 s20, s3;
	s20 =	sadd.s32 s21, s4;
	s21 =	simm.s32 $0x4F00  }
0x17: {  	s23 =	simm.s32 $0x1C800;
	s24 =	simm.s32 $0x2780;
	s10 =	sadd.s32 $0x16800, s11  }
0x18: {  	v0 =	vimm.f32 $0.0e+00;
	v1 =	vimm.f32 $1.000000000e+00;
	s11 =	sadd.s32 s13, s3;
	s12 =	sadd.s32 $0x64C00, s12;
	s13 =	sadd.s32 s30, s4  }
.LBB2_1:
0x19: {  	s28 =	simm.s32 $0x4F40  }
0x1a: {  	[tilespmem:s28+$0xFFFFFFD0] =	vst v0  }
0x1b: {  	[tilespmem:s28+$0xFFFFFFE0] =	vst v0  }
0x1c: {  	[tilespmem:s28+$0xFFFFFFF0] =	vst v0  }
0x1d: {  	[tilespmem:s28+$0x0] =	vst v0  }
0x1e: {  	[tilespmem:s28+$0x10] =	vst v0  }
0x1f: {  	[tilespmem:s28+$0x20] =	vst v0  }
0x20: {  	[tilespmem:s28+$0x30] =	vst v0  }
0x21: {  	s30 =	simm.s32 $0x0;
	s29 =	simm.s32 $0x40;
	[tilespmem:s28+$0xFFFFFFC0] =	vst v0  }
.LBB2_2:
0x22: {  	p0 =	sne.s32 s29, $0x1FC0;
	[tilespmem:s30+$0x1C800] =	vst v0;
	s28 =	sadd.s32 $0x80, s28  }
0x23: {  	[tilespmem:s28+$0xFFFFFFD0] =	vst v0  }
0x24: {  	[tilespmem:s28+$0xFFFFFFE0] =	vst v0  }
0x25: {  	[tilespmem:s28+$0xFFFFFFF0] =	vst v0  }
.Ltmp0:
0x26: {  	[tilespmem:s28+$0x0] =	vst v0;
	(pc) =	sbr.rel @p0 .LBB2_2-.Ltmp0, $4  }
0x27: {  	[tilespmem:s28+$0x10] =	vst v0  }
0x28: {  	[tilespmem:s28+$0x20] =	vst v0  }
0x29: {  	[tilespmem:s28+$0x30] =	vst v0  }
0x2a: {  	s30 =	sshra.s32 s29, $0x2;
	s29 =	sadd.s32 $0x40, s29;
	[tilespmem:s28+$0xFFFFFFC0] =	vst v0  }
0x2b: {  	[tilespmem:s30+$0x1C800] =	vst v0  }
0x2c: {  	[spmem:s11] =	stream.linear.scatter [tilespmem:s21], [sflag:$0x2], $0x4000, $0x38;
	[tilespmem:$0x1F720] =	vst v63  }
0x2d: {  	_ =	swait.ge [sflag:s22], $0x4000  }
0x2e: {  	[sflag:s22] =	ssyncset.done $0x0  }
0x2f: {  	[sflag:s22] =	ssyncadd.s32 $0xFFFFC000  }
0x30: {  	[spmem:s13] =	stream.linear.scatter [tilespmem:s23], [sflag:$0x2], $0x800, $0x38;
	[tilespmem:$0x1F720] =	vst v63  }
0x31: {  	_ =	swait.ge [sflag:s22], $0x800  }
0x32: {  	[sflag:s22] =	ssyncset.done $0x0  }
0x33: {  	[sflag:s22] =	ssyncadd.s32 $0xFFFFF800  }
0x34: {  	[spmem:s15] =	stream.linear.scatter [tilespmem:s21], [sflag:$0x2], $0x4000, $0x38;
	[tilespmem:$0x1F720] =	vst v63  }
0x35: {  	_ =	swait.ge [sflag:s22], $0x4000  }
0x36: {  	[sflag:s22] =	ssyncset.done $0x0  }
0x37: {  	[sflag:s22] =	ssyncadd.s32 $0xFFFFC000  }
0x38: {  	[spmem:s16] =	stream.linear.scatter [tilespmem:s23], [sflag:$0x2], $0x800, $0x38;
	[tilespmem:$0x1F720] =	vst v63  }
0x39: {  	_ =	swait.ge [sflag:s22], $0x800  }
0x3a: {  	[sflag:s22] =	ssyncset.done $0x0  }
0x3b: {  	[sflag:s22] =	ssyncadd.s32 $0xFFFFF800  }
0x3c: {  	[spmem:s17] =	stream.linear.scatter [tilespmem:s21], [sflag:$0x2], $0x4000, $0x38;
	[tilespmem:$0x1F720] =	vst v63  }
0x3d: {  	_ =	swait.ge [sflag:s22], $0x4000  }
0x3e: {  	[sflag:s22] =	ssyncset.done $0x0  }
0x3f: {  	[sflag:s22] =	ssyncadd.s32 $0xFFFFC000  }
0x40: {  	[spmem:s18] =	stream.linear.scatter [tilespmem:s23], [sflag:$0x2], $0x800, $0x38;
	[tilespmem:$0x1F720] =	vst v63  }
0x41: {  	_ =	swait.ge [sflag:s22], $0x800  }
0x42: {  	[sflag:s22] =	ssyncset.done $0x0  }
0x43: {  	[sflag:s22] =	ssyncadd.s32 $0xFFFFF800  }
0x44: {  	[spmem:s19] =	stream.linear.scatter [tilespmem:s21], [sflag:$0x2], $0x4000, $0x38;
	[tilespmem:$0x1F720] =	vst v63  }
0x45: {  	_ =	swait.ge [sflag:s22], $0x4000  }
0x46: {  	[sflag:s22] =	ssyncset.done $0x0  }
0x47: {  	[sflag:s22] =	ssyncadd.s32 $0xFFFFC000  }
0x48: {  	[spmem:s20] =	stream.linear.scatter [tilespmem:s23], [sflag:$0x2], $0x800, $0x38;
	[tilespmem:$0x1F720] =	vst v63  }
0x49: {  	_ =	swait.ge [sflag:s22], $0x800  }
0x4a: {  	[sflag:s22] =	ssyncset.done $0x0  }
0x4b: {  	[sflag:s22] =	ssyncadd.s32 $0xFFFFF800  }
0x4c: {  	[spmem:s6] =	stream.linear.scatter [tilespmem:s21], [sflag:$0x2], $0x3900, $0x38;
	[tilespmem:$0x1F720] =	vst v63  }
0x4d: {  	_ =	swait.ge [sflag:s22], $0x3900  }
0x4e: {  	[sflag:s22] =	ssyncset.done $0x0  }
0x4f: {  	[sflag:s22] =	ssyncadd.s32 $0xFFFFC700  }
0x50: {  	[spmem:s7] =	stream.linear.scatter [tilespmem:s23], [sflag:$0x2], $0x720, $0x38;
	[tilespmem:$0x1F720] =	vst v63  }
0x51: {  	_ =	swait.ge [sflag:s22], $0x720  }
0x52: {  	[sflag:s22] =	ssyncset.done $0x0  }
0x53: {  	s28 =	simm.s32 $0x40;
	s29 =	simm.s32 $0x0;
	[sflag:s22] =	ssyncadd.s32 $0xFFFFF8E0  }
.LBB2_4:
0x54: {  	p0 =	sne.s32 s28, $0x1FC0;
	[tilespmem:s29+$0x1C800] =	vst v1;
	s29 =	smov.u32 s28;
	s28 =	sadd.s32 $0x40, s28  }
.Ltmp1:
0x55: {  	(pc) =	sbr.rel @p0 .LBB2_4-.Ltmp1, $2  }
0x56: {  	_ =	sdelay $0x2  }
0x57: {  	s29 =	sshra.s32 s29, $0x2  }
0x58: {  	[tilespmem:s29+$0x1C800] =	vst v1;
	s28 =	simm.s32 $0x0  }
0x59: {  	[tilespmem:s28], [sflag:$0x2] =	stream.linear.gather [hbm4b:s8+s28], $0x2780, $0x38;
	[tilespmem:$0x1F720] =	vst v63  }
0x5a: {  	_ =	swait.ge [sflag:s22], $0x2780  }
0x5b: {  	[sflag:s22] =	ssyncset.done $0x0  }
0x5c: {  	[sflag:s22] =	ssyncadd.s32 $0xFFFFD880  }
0x5d: {  	[tilespmem:s24], [sflag:$0x2] =	stream.linear.gather [hbm4b:s9+s28], $0x2780, $0x38;
	[tilespmem:$0x1F720] =	vst v63  }
0x5e: {  	_ =	swait.ge [sflag:s22], $0x2780  }
0x5f: {  	[sflag:s22] =	ssyncset.done $0x0  }
0x60: {  	[sflag:s22] =	ssyncadd.s32 $0xFFFFD880  }
0x61: {  	s28 =	simm.s32 $0x0;
	[bflag:$0x0] =	sbarrier.arrive $0xFFFF  }
0x62: {  	[tilespmem:s21], [sflag:$0x1] =	stream.indirect.gather [hbm4b:s1+s25], $0x80, s28, s25, $0xb8;
	[tilespmem:$0x1F720] =	vst v63  }
0x63: {  	_ =	swait.ge [sflag:s26], $0x4000  }
0x64: {  	[sflag:s26] =	ssyncset.done $0x0  }
0x65: {  	s28 =	simm.s32 $0x2780;
	[sflag:s26] =	ssyncadd.s32 $0xFFFFC000  }
0x66: {  	[spmem:s3] =	stream.indirect.scatter.add.f32 [tilespmem:s21], [sflag:$0x2], $0x80, s28, s25, $0xb8;
	[tilespmem:$0x1F720] =	vst v63  }
0x67: {  	_ =	swait.ge [sflag:s22], $0x4000  }
0x68: {  	[sflag:s22] =	ssyncset.done $0x0  }
0x69: {  	[sflag:s22] =	ssyncadd.s32 $0xFFFFC000  }
0x6a: {  	[spmem:s4] =	stream.indirect.scatter.add.f32 [tilespmem:s23], [sflag:$0x2], $0x10, s28, s25, $0xb8;
	[tilespmem:$0x1F720] =	vst v63  }
0x6b: {  	_ =	swait.ge [sflag:s22], $0x800  }
0x6c: {  	s29 =	simm.s32 $0x400;
	s28 =	simm.s32 $0x200;
	[sflag:s22] =	ssyncset.done $0x0  }
.LBB2_6:
0x6d: {  	s30 =	sshra.s32 s28, $0x2  }
0x6e: {  	[sflag:s22] =	ssyncadd.s32 $0xFFFFF800;
	s28 =	smov.u32 s29;
	s31 =	sadd.s32 $0x200, s29  }
0x6f: {  	[tilespmem:s21], [sflag:$0x1] =	stream.indirect.gather [hbm4b:s1+s25], $0x80, s30, s25, $0xb8;
	[tilespmem:$0x1F720] =	vst v63  }
0x70: {  	p0 =	sne.s32 s29, $0x9C00;
	_ =	swait.ge [sflag:s26], $0x4000  }
0x71: {  	[sflag:s26] =	ssyncset.done $0x0  }
0x72: {  	s29 =	sadd.s32 $0x2780, s30;
	[sflag:s26] =	ssyncadd.s32 $0xFFFFC000  }
0x73: {  	[spmem:s3] =	stream.indirect.scatter.add.f32 [tilespmem:s21], [sflag:$0x2], $0x80, s29, s25, $0xb8;
	[tilespmem:$0x1F720] =	vst v63  }
0x74: {  	_ =	swait.ge [sflag:s22], $0x4000  }
.Ltmp2:
0x75: {  	[sflag:s22] =	ssyncset.done $0x0;
	(pc) =	sbr.rel @p0 .LBB2_6-.Ltmp2, $4  }
0x76: {  	[sflag:s22] =	ssyncadd.s32 $0xFFFFC000  }
0x77: {  	[spmem:s4] =	stream.indirect.scatter.add.f32 [tilespmem:s23], [sflag:$0x2], $0x10, s29, s25, $0xb8;
	[tilespmem:$0x1F720] =	vst v63  }
0x78: {  	_ =	swait.ge [sflag:s22], $0x800  }
0x79: {  	s29 =	smov.u32 s31;
	[sflag:s22] =	ssyncset.done $0x0  }
0x7a: {  	s28 =	sshra.s32 s28, $0x2;
	[sflag:s22] =	ssyncadd.s32 $0xFFFFF800  }
0x7b: {  	[tilespmem:s21], [sflag:$0x1] =	stream.indirect.gather [hbm4b:s1+s25], $0x80, s28, s25, $0xb8;
	[tilespmem:$0x1F720] =	vst v63  }
0x7c: {  	_ =	swait.ge [sflag:s26], $0x4000  }
0x7d: {  	[sflag:s26] =	ssyncset.done $0x0  }
0x7e: {  	s28 =	sadd.s32 $0x2780, s28;
	[sflag:s26] =	ssyncadd.s32 $0xFFFFC000  }
0x7f: {  	[spmem:s3] =	stream.indirect.scatter.add.f32 [tilespmem:s21], [sflag:$0x2], $0x80, s28, s25, $0xb8;
	[tilespmem:$0x1F720] =	vst v63  }
0x80: {  	_ =	swait.ge [sflag:s22], $0x4000  }
0x81: {  	[sflag:s22] =	ssyncset.done $0x0  }
0x82: {  	[sflag:s22] =	ssyncadd.s32 $0xFFFFC000  }
0x83: {  	[spmem:s4] =	stream.indirect.scatter.add.f32 [tilespmem:s23], [sflag:$0x2], $0x10, s28, s25, $0xb8;
	[tilespmem:$0x1F720] =	vst v63  }
0x84: {  	_ =	swait.ge [sflag:s22], $0x800  }
0x85: {  	[sflag:s22] =	ssyncset.done $0x0  }
0x86: {  	s30 =	sshll.u32 s2, $0x6;
	[sflag:s22] =	ssyncadd.s32 $0xFFFFF800  }
0x87: {  	s29 =	sshrl.u32 s11, $0x3;
	s28 =	sor.u32 $0x1C02, s30;
	[bflag:$0x0] =	sbarrier.arrive $0xFFFF  }
0x88: {  	[hbm:s10], [sflag:s28] =	dma.local [spmem:s29], $0x2720  }
0x89: {  	s5 =	sadd.s32 $0x1, s5;
	_ =	swait.ge [sflag:s22], $0x2720  }
0x8a: {  	p0 =	sne.s32 s5, s14;
	[sflag:s22] =	ssyncset.done $0x0  }
.Ltmp3:
0x8b: {  	s31 =	sshrl.u32 s13, $0x3;
	[sflag:s22] =	ssyncadd.s32 $0xFFFFD8E0;
	(pc) =	sbr.rel @p0 .LBB2_1-.Ltmp3, $4  }
0x8c: {  	[hbm:s12], [sflag:s28] =	dma.local [spmem:s31], $0x4E4  }
0x8d: {  	_ =	swait.ge [sflag:s22], $0x4E4  }
0x8e: {  	[sflag:s22] =	ssyncset.done $0x0  }
0x8f: {  	[sflag:s22] =	ssyncadd.s32 $0xFFFFFB1C  }
0x90: {  	_ =	sfence.sel $0x180000  }
0x91: {  	[bflag:$0x0] =	sbarrier.arrive $0xFFFF  }
0x92: {  	p0 =	sne.s32 s2, $0x0;
	_ =	strace $0x90000047  }
0x93: {  	s0 =	sadd.s32 @!p0 $0x100000, s0;
	[bflag:$0x2] =	sbarrier.arrive $0xFFFF  }
0x94: {  	[sflag:s0] =	ssyncadd.tile.s32 @!p0 $0x1;
	_ =	shalt  }
.Lfunc_end2:
_tile_overlayer_lowered:
.L_overlay_start_2:
0x95: {  	(tag) =	ssettag $0x2  }
0x96: {  	s0 =	rddreg [dreg:$0x0];
	s2 =	stileid.u32  }
0x97: {  	s1 =	rddreg [dreg:$0x1];
	p0 =	sne.s32 s2, $0x0  }
0x98: {  	s3 =	rddreg [dreg:$0x2];
	[bflag:$0x3] =	sbarrier.arrive $0xFFFF;
	s2 =	simm.s32 @!p0 $0x1C02  }
0x99: {  	[timem:s3], [sflag:s2] =	dma.local @!p0 [hbm:s0], s1  }
0x9a: {  	s0 =	simm.s32 @!p0 $0x2  }
0x9b: {  	_ =	swait.ge @!p0 [sflag:s0], s1  }
0x9c: {  	s1 =	ssub.s32 @!p0 $0x0, s1;
	[sflag:s0] =	ssyncset.done @!p0 $0x0  }
0x9d: {  	[sflag:s0] =	ssyncadd.s32 @!p0 s1  }
0x9e: {  	[bflag:$0x3] =	sbarrier.arrive $0xFFFF  }
0x9f: {  	_ =	shalt  }

// kernel: kernel.9.cloned.1.call-start
scs
__scs_entry_jumppad:
0x0: {  	(pc) =	sbr.rel $0x88, $3  }
0x1: {  	(tag) =	ssettag $0x0;
	lr =	simm.s32 $0x1  }
0x2: {  	[smem:$0x3F99] =	sst lr;
	_ =	strace $0xD0000000  }
0x3: {  	_ = 	snop  }
0x4: {  	_ = 	snop  }
0x5: {  	_ = 	snop  }
0x6: {  	_ = 	snop  }
0x7: {  	_ = 	snop  }
__scs_overlays_trampoline_lowered:
0x8: {  	[smem:$0x3FA8] =	sst s0  }
0x9: {  	[smem:$0x3FA9] =	sst s1  }
0xa: {  	[smem:$0x3FAA] =	sst s2  }
0xb: {  	[smem:$0x3FAB] =	sst s3  }
0xc: {  	[smem:$0x3FAC] =	sst s4  }
0xd: {  	[smem:$0x3FAD] =	sst s5  }
0xe: {  	[smem:$0x3FAE] =	sst s6  }
0xf: {  	[smem:$0x3FAF] =	sst s7  }
0x10: {  	[smem:$0x3FB0] =	sst s8  }
0x11: {  	[smem:$0x3FB1] =	sst s9;
	s0 =	simm.s32 @!p0 $0x0  }
0x12: {  	s1 =	sld [smem:$0x3F97];
	s0 =	simm.s32 @p0 $0x1  }
0x13: {  	[smem:$0x3FB2] =	sst s0;
	s0 =	simm.s32 @!p1 $0x0  }
0x14: {  	s2 =	sld [smem:$0x3F96];
	s0 =	simm.s32 @p1 $0x1  }
0x15: {  	[smem:$0x3FB3] =	sst s0;
	s0 =	simm.s32 @!p2 $0x0  }
0x16: {  	s3 =	sld [smem:$0x3FDB];
	s0 =	simm.s32 @p2 $0x1  }
0x17: {  	s4 =	simm.s32 $0x1BF5;
	[smem:$0x3FB5] =	sst s0  }
0x18: {  	s0 =	sld [smem:$0x3F98];
	_ =	swait.ge [sflag:s4], $0x0  }
0x19: {  	s7 =	sld [smem:$0x3F99]  }
0x1a: {  	s8 =	sadd.s32 $0xFFFFE003, lr  }
0x1b: {  	s9 =	sadd.s32 $0xFFFFFEF7, lr;
	s5 =	simm.s32 $0xFFFFFFFF;
	p2 =	slt.u32 s8, $0xFFFFF086  }
0x1c: {  	p1 =	slt.u32 s9, $0xF7A;
	s5 =	simm.s32 @!p2 $0x0  }
0x1d: {  	s5 =	simm.s32 @p1 $0x1;
	p0 =	seq.s32 s7, s2  }
0x1e: {  	s7 =	smul.u32 @!p0 $0xF7A, s2;
	p2 =	seq.s32 @!p0 s5, $0x0  }
0x1f: {  	s9 =	smul.u32 $0xF7A, s1;
	s8 =	simm.s32 @!p0 $0x1BF5;
	p2 =	por !p2, p0  }
0x20: {  	[sflag:s8] =	ssyncset.s32 @!p0 $0xFFFFF086;
	s6 =	sadd.s32 @!p0 s3, s7;
	s7 =	simm.s32 @!p0 $0x108  }
0x21: {  	s3 =	sadd.s32 s3, s9;
	s6 =	sadd.s32 @!p0 $0x88, s6;
	s7 =	simm.s32 @p2 $0x1082  }
0x22: {  	[simem:s7], [sflag:s8] =	dma.local @!p0 [hbm:s6], $0xF7A  }
0x23: {  	s9 =	sor.u32 $0xD0000000, s2;
	s6 =	simm.s32 $0x108;
	_ =	swait.ge @!p0 [sflag:s8], $0x0  }
0x24: {  	s3 =	sadd.s32 $0x88, s3;
	s6 =	simm.s32 @!p1 $0x1082;
	[sflag:s4] =	ssyncset.s32 $0xFFFFF086  }
0x25: {  	[simem:s6], [sflag:s4] =	dma.local [hbm:s3], $0xF7A  }
0x26: {  	[smem:$0x3F99] =	sst s1;
	(tag) =	ssettag s2;
	_ =	strace s9  }
0x27: {  	s1 =	sld [smem:$0x3FA9]  }
0x28: {  	s2 =	sld [smem:$0x3FAA]  }
0x29: {  	s4 =	sld [smem:$0x3FAC]  }
0x2a: {  	p0 =	seq.s32 s5, $0x0;
	s5 =	sld [smem:$0x3FAD]  }
0x2b: {  	s6 =	sld [smem:$0x3FAE]  }
0x2c: {  	s7 =	sld [smem:$0x3FAF]  }
0x2d: {  	s3 =	simm.s32 $0x108;
	s8 =	sld [smem:$0x3FB0]  }
0x2e: {  	s3 =	simm.s32 @!p0 $0x1082;
	s9 =	sld [smem:$0x3FB1]  }
0x2f: {  	lr =	sadd.s32 s0, s3;
	s0 =	sld [smem:$0x3FA8]  }
0x30: {  	s3 =	sld [smem:$0x3FAB]  }
0x31: {  	[smem:$0x3FB4] =	sst s10  }
0x32: {  	s10 =	sld [smem:$0x3FB2];
	_ =	sdelay $0x3  }
0x33: {  	p0 =	seq.s32 s10, $0x1;
	s10 =	sld [smem:$0x3FB4];
	_ =	sdelay $0x3  }
0x34: {  	[smem:$0x3FB4] =	sst s10  }
0x35: {  	s10 =	sld [smem:$0x3FB3];
	_ =	sdelay $0x3  }
0x36: {  	p1 =	seq.s32 s10, $0x1;
	s10 =	sld [smem:$0x3FB4];
	_ =	sdelay $0x3  }
0x37: {  	[smem:$0x3FB4] =	sst s10  }
0x38: {  	s10 =	sld [smem:$0x3FB5]  }
0x39: {  	_ = 	snop;
	(pc) =	sbr.ind lr, $3  }
0x3a: {  	_ = 	snop  }
0x3b: {  	_ = 	snop  }
0x3c: {  	p2 =	seq.s32 s10, $0x1;
	s10 =	sld [smem:$0x3FB4]  }
0x3d: {  	_ =	shalt  }
0x3e: {  	_ =	shalt  }
0x3f: {  	_ =	shalt  }
0x40: {  	_ =	shalt  }
0x41: {  	_ =	shalt  }
0x42: {  	_ =	shalt  }
0x43: {  	_ =	shalt  }
0x44: {  	_ =	shalt  }
0x45: {  	_ =	shalt  }
0x46: {  	_ =	shalt  }
0x47: {  	_ =	shalt  }
0x48: {  	_ =	shalt  }
0x49: {  	_ =	shalt  }
0x4a: {  	_ =	shalt  }
0x4b: {  	_ =	shalt  }
0x4c: {  	_ =	shalt  }
0x4d: {  	_ =	shalt  }
0x4e: {  	_ =	shalt  }
0x4f: {  	_ =	shalt  }
0x50: {  	_ =	shalt  }
0x51: {  	_ =	shalt  }
0x52: {  	_ =	shalt  }
0x53: {  	_ =	shalt  }
0x54: {  	_ =	shalt  }
0x55: {  	_ =	shalt  }
0x56: {  	_ =	shalt  }
0x57: {  	_ =	shalt  }
0x58: {  	_ =	shalt  }
0x59: {  	_ =	shalt  }
0x5a: {  	_ =	shalt  }
0x5b: {  	_ =	shalt  }
0x5c: {  	_ =	shalt  }
0x5d: {  	_ =	shalt  }
0x5e: {  	_ =	shalt  }
0x5f: {  	_ =	shalt  }
0x60: {  	_ =	shalt  }
0x61: {  	_ =	shalt  }
0x62: {  	_ =	shalt  }
0x63: {  	_ =	shalt  }
0x64: {  	_ =	shalt  }
0x65: {  	_ =	shalt  }
0x66: {  	_ =	shalt  }
0x67: {  	_ =	shalt  }
0x68: {  	_ =	shalt  }
0x69: {  	_ =	shalt  }
0x6a: {  	_ =	shalt  }
0x6b: {  	_ =	shalt  }
0x6c: {  	_ =	shalt  }
0x6d: {  	_ =	shalt  }
0x6e: {  	_ =	shalt  }
0x6f: {  	_ =	shalt  }
0x70: {  	_ =	shalt  }
0x71: {  	_ =	shalt  }
0x72: {  	_ =	shalt  }
0x73: {  	_ =	shalt  }
0x74: {  	_ =	shalt  }
0x75: {  	_ =	shalt  }
0x76: {  	_ =	shalt  }
0x77: {  	_ =	shalt  }
0x78: {  	_ =	shalt  }
0x79: {  	_ =	shalt  }
0x7a: {  	_ =	shalt  }
0x7b: {  	_ =	shalt  }
0x7c: {  	_ =	shalt  }
0x7d: {  	_ =	shalt  }
0x7e: {  	_ =	shalt  }
0x7f: {  	_ =	shalt  }
0x80: {  	_ =	shalt  }
0x81: {  	_ =	shalt  }
0x82: {  	_ =	shalt  }
0x83: {  	_ =	shalt  }
0x84: {  	_ =	shalt  }
0x85: {  	_ =	shalt  }
0x86: {  	_ =	shalt  }
0x87: {  	_ =	shalt  }
.Lfunc_end0:
.L_simem_size_0:
called_computation.1_lowered:
.L_overlay_start_0:
0x88: {  	s2 =	sld [smem:$0x3FD9]  }
0x89: {  	s3 =	sld [smem:$0x3FFE];
	_ =	sdelay $0x1  }
0x8a: {  	s1 =	srdreg.scid  }
0x8b: {  	s0 =	sand.u32 $0x1, s1  }
0x8c: {  	s17 =	sshll.u32 s0, $0xA;
	s2 =	sadd.s32 s3, s2  }
0x8d: {  	s2 =	sadd.s32 s2, s17  }
0x8e: {  	[smem:$0x3FC0] =	sst s2  }
0x8f: {  	_ = 	snop  }
0x90: {  	s2 =	sld [smem:$0x3FD0];
	(tm) =	ssettm $0x1  }
0x91: {  	s18 =	sld [smem:$0x3FFB];
	_ =	sdelay $0x3  }
0x92: {  	_ =	strace s18  }
0x93: {  	s3 =	sld [smem:$0x3FFC];
	_ =	sdelay $0x3  }
0x94: {  	_ =	strace s3  }
0x95: {  	s3 =	sld [smem:$0x3FFD];
	_ =	sdelay $0x3  }
0x96: {  	_ =	strace s3  }
0x97: {  	_ =	strace $0x8FFFFFFF  }
0x98: {  	s19 =	sld [smem:$0x3FDB];
	_ =	sdelay $0x1  }
0x99: {  	s4 =	simm.s32 $_scs_section_size  }
0x9a: {  	s5 =	simm.s32 $_size__tile_overlayer_lowered;
	s6 =	simm.s32 $_tile_overlayer_lowered  }
0x9b: {  	s22 =	simm.s32 $0x1BFF;
	s21 =	sshll.u32 s6, $0x1;
	s3 =	sadd.s32 s4, s19  }
0x9c: {  	s7 =	simm.s32 $0x0;
	s20 =	sshll.u32 s5, $0x1;
	s5 =	sadd.s32 s21, s3  }
0x9d: {  	[timem:s7], [sflag:s22] =	dma.local [hbm:s5], s20  }
0x9e: {  	_ =	swait.ge [sflag:s22], s20  }
0x9f: {  	s4 =	ssub.s32 $0x0, s20;
	[sflag:s22] =	ssyncset.done $0x0  }
0xa0: {  	[sflag:s22] =	ssyncadd.s32 s4;
	_ =	sdelay $0x1  }
0xa1: {  	s23 =	simm.s32 $0x1B8B  }
0xa2: {  	_ =	swait.ge [sflag:s23], $0x1  }
0xa3: {  	[sflag:s23] =	ssyncset.done $0x0  }
0xa4: {  	s25 =	simm.s32 $0x1B8E;
	s24 =	sld [smem:$0x3FFE];
	[sflag:s23] =	ssyncadd.s32 $0xFFFFFFFF  }
0xa5: {  	s26 =	simm.s32 $execute0_lowered;
	[smem:$0x3FD2] =	sst s25  }
0xa6: {  	s5 =	sshll.u32 s26, $0x1;
	_ =	strace $0x80000049;
	[dreg:$0x1] =	wrdreg $0xFFFFFFFF  }
0xa7: {  	s28 =	simm.s32 $_size_execute0_lowered;
	s3 =	sadd.s32 s3, s5;
	[dreg:$0x0] =	wrdreg $0x0  }
0xa8: {  	s5 =	sshll.u32 s28, $0x1;
	[dreg:$0x2] =	wrdreg s3  }
0xa9: {  	[dreg:$0x3] =	wrdreg s5  }
0xaa: {  	[dreg:$0x4] =	wrdreg $0xC0  }
0xab: {  	_ =	task [dreg:s7], $0x5FFFF  }
0xac: {  	[dreg:$0x1] =	wrdreg $0xFFFFFFFF  }
0xad: {  	[dreg:$0x0] =	wrdreg $0x60  }
0xae: {  	[dreg:$0x2] =	wrdreg s2  }
0xaf: {  	[dreg:$0x3] =	wrdreg s24  }
0xb0: {  	[dreg:$0x4] =	wrdreg $0x8F000  }
0xb1: {  	[dreg:$0x5] =	wrdreg $0x9  }
0xb2: {  	_ =	task.clear_ibuf [dreg:s7], $0x6FFFF;
	_ =	strace $0x90000049  }
0xb3: {  	s29 =	simm.s32 $0x9;
	_ =	strace $0x8000004B  }
0xb4: {  	_ =	swait.ge [sflag:s29], $0x1  }
0xb5: {  	[sflag:s29] =	ssyncadd.s32 $0xFFFFFFFF  }
0xb6: {  	_ =	strace $0x9000004B  }
0xb7: {  	_ =	sfence  }
0xb8: {  	s30 =	sld [smem:$0x0];
	_ =	sdelay $0x2  }
0xb9: {  	s31 =	sshll.u32 s1, $0xD;
	s1 =	sshrl.u32 s1, $0x2  }
0xba: {  	s3 =	sand.u32 $0x4000, s31;
	s1 =	sadd.s32 s1, s30  }
0xbb: {  	s0 =	sor.u32 s3, s0;
	s1 =	sshll.u32 s1, $0x11  }
0xbc: {  	s0 =	sor.u32 s1, s0  }
0xbd: {  	s0 =	sadd.s32 $0x8F2B, s0  }
0xbe: {  	[sflag:s0] =	ssyncadd.remote.s32 $0x1  }
0xbf: {  	_ =	sfence.sel $0xFFFF  }
0xc0: {  	[dreg:$0x0] =	wrdreg $0xFFFFFFFF;
	(pc) =	sbr.abs _section_cstart, $3  }
0xc1: {  	[dreg:$0x1] =	wrdreg $0xFFFFFFFF  }
0xc2: {  	_ =	task.clear_ibuf [dreg:s7], $0x2FFFF;
	_ =	strace $0x9FFFFFFF  }
0xc3: {  	(tm) =	ssettm $0x7FFFFFFF  }
tec
execute0_lowered:
.L_overlay_start_1:
0x0: {  	(tag) =	ssettag $0x1  }
0x1: {  	s2 =	srdreg.scid;
	s1 =	rddreg [dreg:$0x0]  }
0x2: {  	s0 =	stileid.u32;
	s6 =	rddreg [dreg:$0x1]  }
0x3: {  	s3 =	rddreg [dreg:$0x2];
	s4 =	simm.s32 $0x0;
	s14 =	simm.s32 $0x4F00  }
0x4: {  	s15 =	simm.s32 $0x2;
	s16 =	simm.s32 $0x2780;
	s17 =	simm.s32 $0x80  }
0x5: {  	s18 =	simm.s32 $0x1;
	s5 =	sand.u32 $0x1, s2;
	s8 =	smul.u32 $0x2720, s0  }
0x6: {  	s28 =	sshll.u32 s0, $0x1;
	[smem:$0x7FF] =	sst s4;
	s9 =	smul.u32 $0x4E400, s0  }
0x7: {  	s19 =	sshll.u32 s0, $0x6;
	s2 =	sor.u32 s5, s28;
	s10 =	smul.u32 $0x27200, s5  }
0x8: {  	s29 =	ssub.s32 $0x2, s5;
	s19 =	sor.u32 $0x1C02, s19;
	s7 =	smul.u32 $0x4F0, s2  }
0x9: {  	s2 =	rddreg [dreg:$0x3];
	_ =	strace $0x8000004A;
	s30 =	sshrl.u32 s9, $0x2  }
0xa: {  	s31 =	sshrl.u32 s29, $0x1;
	s8 =	sadd.s32 s8, s10;
	s5 =	sadd.s32 s30, s3  }
0xb: {  	s12 =	ssub.s32 s29, s31;
	s11 =	sadd.s32 s7, s6;
	s10 =	sadd.s32 s8, s6  }
0xc: {  	s6 =	sadd.s32 $0x10000, s5;
	s13 =	sadd.s32 $0xC000, s5;
	s20 =	sshrl.u32 s5, $0x3  }
0xd: {  	s7 =	sadd.s32 $0xCA00, s11;
	s8 =	sadd.s32 $0x2C00, s11;
	s9 =	sadd.s32 $0x64C00, s10  }
0xe: {  	v0 =	vimm.f32 $0.0e+00;
	s10 =	smax.u32 s12, $0x1;
	s11 =	sadd.s32 $0x4000, s5;
	s12 =	sadd.s32 $0x8000, s5  }
.LBB2_1:
0xf: {  	s21 =	simm.s32 $0x0;
	s22 =	simm.s32 $0x200  }
.LBB2_2:
0x10: {  	p0 =	sne.s32 s22, $0xFE00;
	[tilespmem:s21+$0x4F70] =	vst v0  }
0x11: {  	[tilespmem:s21+$0x4F00] =	vst v0  }
0x12: {  	[tilespmem:s21+$0x4F10] =	vst v0  }
.Ltmp0:
0x13: {  	[tilespmem:s21+$0x4F20] =	vst v0;
	(pc) =	sbr.rel @p0 .LBB2_2-.Ltmp0, $4  }
0x14: {  	[tilespmem:s21+$0x4F30] =	vst v0  }
0x15: {  	[tilespmem:s21+$0x4F40] =	vst v0  }
0x16: {  	[tilespmem:s21+$0x4F50] =	vst v0  }
0x17: {  	[tilespmem:s21+$0x4F60] =	vst v0;
	s21 =	sshra.s32 s22, $0x2;
	s22 =	sadd.s32 $0x200, s22  }
0x18: {  	[tilespmem:s21+$0x4F70] =	vst v0  }
0x19: {  	[tilespmem:s21+$0x4F00] =	vst v0  }
0x1a: {  	[tilespmem:s21+$0x4F10] =	vst v0  }
0x1b: {  	[tilespmem:s21+$0x4F20] =	vst v0  }
0x1c: {  	[tilespmem:s21+$0x4F30] =	vst v0  }
0x1d: {  	[tilespmem:s21+$0x4F40] =	vst v0  }
0x1e: {  	[tilespmem:s21+$0x4F50] =	vst v0  }
0x1f: {  	[tilespmem:s21+$0x4F60] =	vst v0  }
0x20: {  	[spmem:s5] =	stream.linear.scatter [tilespmem:s14], [sflag:$0x2], $0x4000, $0x38;
	[tilespmem:$0x1C800] =	vst v63  }
0x21: {  	_ =	swait.ge [sflag:s15], $0x4000  }
0x22: {  	[sflag:s15] =	ssyncset.done $0x0  }
0x23: {  	[sflag:s15] =	ssyncadd.s32 $0xFFFFC000  }
0x24: {  	[spmem:s11] =	stream.linear.scatter [tilespmem:s14], [sflag:$0x2], $0x4000, $0x38;
	[tilespmem:$0x1C800] =	vst v63  }
0x25: {  	_ =	swait.ge [sflag:s15], $0x4000  }
0x26: {  	[sflag:s15] =	ssyncset.done $0x0  }
0x27: {  	[sflag:s15] =	ssyncadd.s32 $0xFFFFC000  }
0x28: {  	[spmem:s12] =	stream.linear.scatter [tilespmem:s14], [sflag:$0x2], $0x4000, $0x38;
	[tilespmem:$0x1C800] =	vst v63  }
0x29: {  	_ =	swait.ge [sflag:s15], $0x4000  }
0x2a: {  	[sflag:s15] =	ssyncset.done $0x0  }
0x2b: {  	[sflag:s15] =	ssyncadd.s32 $0xFFFFC000  }
0x2c: {  	[spmem:s13] =	stream.linear.scatter [tilespmem:s14], [sflag:$0x2], $0x4000, $0x38;
	[tilespmem:$0x1C800] =	vst v63  }
0x2d: {  	_ =	swait.ge [sflag:s15], $0x4000  }
0x2e: {  	[sflag:s15] =	ssyncset.done $0x0  }
0x2f: {  	[sflag:s15] =	ssyncadd.s32 $0xFFFFC000  }
0x30: {  	[spmem:s6] =	stream.linear.scatter [tilespmem:s14], [sflag:$0x2], $0x3900, $0x38;
	[tilespmem:$0x1C800] =	vst v63  }
0x31: {  	_ =	swait.ge [sflag:s15], $0x3900  }
0x32: {  	[sflag:s15] =	ssyncset.done $0x0  }
0x33: {  	s29 =	simm.s32 $0x0;
	[sflag:s15] =	ssyncadd.s32 $0xFFFFC700  }
0x34: {  	[tilespmem:s29], [sflag:$0x2] =	stream.linear.gather [hbm4b:s7+s29], $0x2780, $0x38;
	[tilespmem:$0x1C800] =	vst v63  }
0x35: {  	_ =	swait.ge [sflag:s15], $0x2780  }
0x36: {  	[sflag:s15] =	ssyncset.done $0x0  }
0x37: {  	[sflag:s15] =	ssyncadd.s32 $0xFFFFD880  }
0x38: {  	[tilespmem:s16], [sflag:$0x2] =	stream.linear.gather [hbm4b:s8+s29], $0x2780, $0x38;
	[tilespmem:$0x1C800] =	vst v63  }
0x39: {  	_ =	swait.ge [sflag:s15], $0x2780  }
0x3a: {  	[sflag:s15] =	ssyncset.done $0x0  }
0x3b: {  	[sflag:s15] =	ssyncadd.s32 $0xFFFFD880  }
0x3c: {  	s30 =	simm.s32 $0x0;
	[bflag:$0x0] =	sbarrier.arrive $0xFFFF  }
0x3d: {  	[tilespmem:s14], [sflag:$0x1] =	stream.indirect.gather [hbm4b:s1+s17], $0x80, s30, s17, $0xb8;
	[tilespmem:$0x1C800] =	vst v63  }
0x3e: {  	_ =	swait.ge [sflag:s18], $0x4000  }
0x3f: {  	[sflag:s18] =	ssyncset.done $0x0  }
0x40: {  	s31 =	simm.s32 $0x2780;
	[sflag:s18] =	ssyncadd.s32 $0xFFFFC000  }
0x41: {  	[spmem:s3] =	stream.indirect.scatter.add.f32 [tilespmem:s14], [sflag:$0x2], $0x80, s31, s17, $0xb8;
	[tilespmem:$0x1C800] =	vst v63  }
0x42: {  	_ =	swait.ge [sflag:s15], $0x4000  }
0x43: {  	s21 =	simm.s32 $0x200;
	s22 =	simm.s32 $0x400;
	[sflag:s15] =	ssyncset.done $0x0  }
.LBB2_4:
0x44: {  	s23 =	sshra.s32 s21, $0x2  }
0x45: {  	[sflag:s15] =	ssyncadd.s32 $0xFFFFC000;
	s21 =	smov.u32 s22;
	s24 =	sadd.s32 $0x200, s22  }
0x46: {  	[tilespmem:s14], [sflag:$0x1] =	stream.indirect.gather [hbm4b:s1+s17], $0x80, s23, s17, $0xb8;
	[tilespmem:$0x1C800] =	vst v63  }
0x47: {  	p0 =	sne.s32 s22, $0x9C00;
	_ =	swait.ge [sflag:s18], $0x4000  }
.Ltmp1:
0x48: {  	[sflag:s18] =	ssyncset.done $0x0;
	(pc) =	sbr.rel @p0 .LBB2_4-.Ltmp1, $4  }
0x49: {  	s22 =	sadd.s32 $0x2780, s23;
	[sflag:s18] =	ssyncadd.s32 $0xFFFFC000  }
0x4a: {  	[spmem:s3] =	stream.indirect.scatter.add.f32 [tilespmem:s14], [sflag:$0x2], $0x80, s22, s17, $0xb8;
	[tilespmem:$0x1C800] =	vst v63  }
0x4b: {  	_ =	swait.ge [sflag:s15], $0x4000  }
0x4c: {  	s22 =	smov.u32 s24;
	[sflag:s15] =	ssyncset.done $0x0  }
0x4d: {  	s21 =	sshra.s32 s21, $0x2;
	[sflag:s15] =	ssyncadd.s32 $0xFFFFC000  }
0x4e: {  	[tilespmem:s14], [sflag:$0x1] =	stream.indirect.gather [hbm4b:s1+s17], $0x80, s21, s17, $0xb8;
	[tilespmem:$0x1C800] =	vst v63  }
0x4f: {  	_ =	swait.ge [sflag:s18], $0x4000  }
0x50: {  	[sflag:s18] =	ssyncset.done $0x0  }
0x51: {  	s21 =	sadd.s32 $0x2780, s21;
	[sflag:s18] =	ssyncadd.s32 $0xFFFFC000  }
0x52: {  	[spmem:s3] =	stream.indirect.scatter.add.f32 [tilespmem:s14], [sflag:$0x2], $0x80, s21, s17, $0xb8;
	[tilespmem:$0x1C800] =	vst v63  }
0x53: {  	_ =	swait.ge [sflag:s15], $0x4000  }
0x54: {  	s4 =	sadd.s32 $0x1, s4;
	[sflag:s15] =	ssyncset.done $0x0  }
0x55: {  	p0 =	sne.s32 s4, s10;
	[sflag:s15] =	ssyncadd.s32 $0xFFFFC000  }
.Ltmp2:
0x56: {  	[bflag:$0x0] =	sbarrier.arrive $0xFFFF;
	(pc) =	sbr.rel @p0 .LBB2_1-.Ltmp2, $4  }
0x57: {  	[hbm:s9], [sflag:s19] =	dma.local [spmem:s20], $0x2720  }
0x58: {  	_ =	swait.ge [sflag:s15], $0x2720  }
0x59: {  	[sflag:s15] =	ssyncset.done $0x0  }
0x5a: {  	[sflag:s15] =	ssyncadd.s32 $0xFFFFD8E0  }
0x5b: {  	_ =	sfence.sel $0x180000  }
0x5c: {  	[bflag:$0x0] =	sbarrier.arrive $0xFFFF  }
0x5d: {  	p0 =	sne.s32 s0, $0x0;
	_ =	strace $0x9000004A  }
0x5e: {  	s0 =	sadd.s32 @!p0 $0x100000, s2;
	[bflag:$0x2] =	sbarrier.arrive $0xFFFF  }
0x5f: {  	[sflag:s0] =	ssyncadd.tile.s32 @!p0 $0x1;
	_ =	shalt  }
.Lfunc_end2:
_tile_overlayer_lowered:
.L_overlay_start_2:
0x60: {  	(tag) =	ssettag $0x2  }
0x61: {  	s0 =	rddreg [dreg:$0x0];
	s2 =	stileid.u32  }
0x62: {  	s1 =	rddreg [dreg:$0x1];
	p0 =	sne.s32 s2, $0x0  }
0x63: {  	s3 =	rddreg [dreg:$0x2];
	[bflag:$0x3] =	sbarrier.arrive $0xFFFF;
	s2 =	simm.s32 @!p0 $0x1C02  }
0x64: {  	[timem:s3], [sflag:s2] =	dma.local @!p0 [hbm:s0], s1  }
0x65: {  	s0 =	simm.s32 @!p0 $0x2  }
0x66: {  	_ =	swait.ge @!p0 [sflag:s0], s1  }
0x67: {  	s1 =	ssub.s32 @!p0 $0x0, s1;
	[sflag:s0] =	ssyncset.done @!p0 $0x0  }
0x68: {  	[sflag:s0] =	ssyncadd.s32 @!p0 s1  }
0x69: {  	[bflag:$0x3] =	sbarrier.arrive $0xFFFF  }
0x6a: {  	_ =	shalt  }

</sc_bundles>
